<compile_context>
chip_gen: v7x
topology: tpu7x:2x2x1
jax: 0.10.2.dev20260603
libtpu: 0.0.44.dev20260713+nightly
codegen_flags: <defaults>
</compile_context>

<pallas_src>
import dataclasses
import functools

import jax
import jax.numpy as jnp
from jax import lax
from jax.experimental import pallas as pl
from jax.experimental.pallas import tpu as pltpu
from jax.experimental.pallas import tpu_sc as plsc

NPOINT = 512
RADIUS = 0.2
NSAMPLE = 32
B = 8
N = 4096


def _fps_body(xyzT_ref, cx_ref, cy_ref, cz_ref, dist_ref):
    x = xyzT_ref[0]
    y = xyzT_ref[1]
    z = xyzT_ref[2]
    lane = lax.broadcasted_iota(jnp.int32, (B, N), 1)

    def body(i, carry):
        far, dist = carry
        onehot = lane == far
        cx = jnp.sum(jnp.where(onehot, x, 0.0), axis=1, keepdims=True)
        cy = jnp.sum(jnp.where(onehot, y, 0.0), axis=1, keepdims=True)
        cz = jnp.sum(jnp.where(onehot, z, 0.0), axis=1, keepdims=True)
        cx_ref[pl.ds(i, 1), :] = cx.reshape(1, B)
        cy_ref[pl.ds(i, 1), :] = cy.reshape(1, B)
        cz_ref[pl.ds(i, 1), :] = cz.reshape(1, B)
        dx = x - cx
        dy = y - cy
        dz = z - cz
        d = (dx * dx + dz * dz) + dy * dy
        dist = jnp.minimum(dist, d)
        m = jnp.max(dist, axis=1, keepdims=True)
        far = jnp.min(jnp.where(dist == m, lane, N), axis=1, keepdims=True)
        return far, dist

    far0 = jnp.zeros((B, 1), jnp.int32)
    dist0 = jnp.full((B, N), 1e10, jnp.float32)
    lax.fori_loop(0, NPOINT, body, (far0, dist0))


def _fps(xyzT):
    out = jax.ShapeDtypeStruct((NPOINT, B), jnp.float32)
    return pl.pallas_call(
        _fps_body,
        out_shape=(out, out, out),
        scratch_shapes=[pltpu.VMEM((B, N), jnp.float32)],
    )(xyzT)


S = NPOINT
K = NSAMPLE
M = B * S * K
C1 = 64
C2 = 128
BLK = 4096
NBLK = M // BLK


def _q_body(pts_ref, xyzB_ref, w0_ref, q_ref):
    ptsb = pts_ref[0]
    xb = xyzB_ref[0]
    w0p = w0_ref[:, 3:67]
    w0x = w0_ref[:, 0:3]
    q = lax.dot_general(ptsb, w0p, (((0,), (1,)), ((), ())),
                        preferred_element_type=jnp.float32)
    qx = lax.dot_general(xb, w0x, (((0,), (1,)), ((), ())),
                         preferred_element_type=jnp.float32)
    q_ref[...] = q + qx


def _q_premul(points, xyzB, W0):
    blkN = 2048
    nj = N // blkN
    return pl.pallas_call(
        _q_body,
        grid=(B, nj),
        in_specs=[
            pl.BlockSpec((1, 64, blkN), lambda b, j: (b, 0, j)),
            pl.BlockSpec((1, 3, blkN), lambda b, j: (b, 0, j)),
            pl.BlockSpec((64, 67), lambda b, j: (0, 0)),
        ],
        out_specs=pl.BlockSpec((blkN, C1), lambda b, j: (b * nj + j, 0)),
        out_shape=jax.ShapeDtypeStruct((B * N, C1), jnp.float32),
    )(points, xyzB, W0)


def _c0_body(nx_ref, w0_ref, c0_ref):
    w0x = w0_ref[:, 0:3]
    c0_ref[...] = lax.dot_general(nx_ref[...], w0x, (((0,), (1,)), ((), ())),
                                  preferred_element_type=jnp.float32)


def _c0_premul(nxT, W0):
    return pl.pallas_call(
        _c0_body,
        out_shape=jax.ShapeDtypeStruct((B * S, C1), jnp.float32),
    )(nxT, W0)


def _expand_c0(c0blk):
    g = c0blk.shape[0]
    return jnp.broadcast_to(c0blk[:, None, :], (g, K, C1)).reshape(g * K, C1)


def _p1_body(g_ref, c0_ref, p_ref):
    y0 = g_ref[...] - _expand_c0(c0_ref[...])
    p_ref[0, 0, :] = jnp.sum(y0, axis=0)
    p_ref[0, 1, :] = jnp.sum(y0 * y0, axis=0)


def _bn_coefs(partials, g, b, nch):
    stats = jnp.sum(partials, axis=0)
    mean = stats[0:1, :] / M
    var = jnp.maximum(stats[1:2, :] / M - mean * mean, 0.0)
    scale = g / jnp.sqrt(var + 1e-5)
    shift = b - mean * scale
    return scale, shift


def _p2_body(g_ref, c0_ref, p0_ref, g0_ref, b0_ref, w1_ref, y1_ref, p_ref):
    scale, shift = _bn_coefs(p0_ref[...], g0_ref[...], b0_ref[...], C1)
    y0 = g_ref[...] - _expand_c0(c0_ref[...])
    x1 = jnp.maximum(y0 * scale + shift, 0.0)
    y1 = lax.dot_general(x1, w1_ref[...], (((1,), (1,)), ((), ())),
                         preferred_element_type=jnp.float32)
    y1_ref[...] = y1
    p_ref[0, 0, :] = jnp.sum(y1, axis=0)
    p_ref[0, 1, :] = jnp.sum(y1 * y1, axis=0)


def _p3_body(y1_ref, p1_ref, g1_ref, b1_ref, w2_ref, mx_ref, mn_ref, p_ref):
    scale, shift = _bn_coefs(p1_ref[...], g1_ref[...], b1_ref[...], C1)
    x2 = jnp.maximum(y1_ref[...] * scale + shift, 0.0)
    y2 = lax.dot_general(x2, w2_ref[...], (((1,), (1,)), ((), ())),
                         preferred_element_type=jnp.float32)
    y2g = y2.reshape(BLK // K, K, C2)
    mx_ref[...] = jnp.max(y2g, axis=1)
    mn_ref[...] = jnp.min(y2g, axis=1)
    p_ref[0, 0, :] = jnp.sum(y2, axis=0)
    p_ref[0, 1, :] = jnp.sum(y2 * y2, axis=0)


def _p4_body(mx_ref, mn_ref, p2_ref, g2_ref, b2_ref, o_ref):
    scale, shift = _bn_coefs(p2_ref[...], g2_ref[...], b2_ref[...], C2)
    y = jnp.where(scale >= 0.0, mx_ref[...], mn_ref[...])
    o_ref[...] = jnp.maximum(y * scale + shift, 0.0)


def _mlp(G, c0, g0, b0, W1, g1, b1, W2, g2, b2):
    gspec = pl.BlockSpec((BLK, C1), lambda i: (i, 0))
    c0spec = pl.BlockSpec((BLK // K, C1), lambda i: (i, 0))
    pspec1 = pl.BlockSpec((NBLK, 2, C1), lambda i: (0, 0, 0))
    pvec = lambda nch: pl.BlockSpec((1, 2, nch), lambda i: (i, 0, 0))
    full = lambda shp: pl.BlockSpec(shp, lambda i: tuple(0 for _ in shp))

    p0 = pl.pallas_call(
        _p1_body, grid=(NBLK,),
        in_specs=[gspec, c0spec],
        out_specs=pvec(C1),
        out_shape=jax.ShapeDtypeStruct((NBLK, 2, C1), jnp.float32),
    )(G, c0)

    y1, p1 = pl.pallas_call(
        _p2_body, grid=(NBLK,),
        in_specs=[gspec, c0spec, pspec1, full((1, C1)), full((1, C1)),
                  full((C1, C1))],
        out_specs=(gspec, pvec(C1)),
        out_shape=(jax.ShapeDtypeStruct((M, C1), jnp.float32),
                   jax.ShapeDtypeStruct((NBLK, 2, C1), jnp.float32)),
    )(G, c0, p0, g0.reshape(1, C1), b0.reshape(1, C1), W1)

    mx, mn, p2 = pl.pallas_call(
        _p3_body, grid=(NBLK,),
        in_specs=[gspec, pspec1, full((1, C1)), full((1, C1)), full((C2, C1))],
        out_specs=(pl.BlockSpec((BLK // K, C2), lambda i: (i, 0)),
                   pl.BlockSpec((BLK // K, C2), lambda i: (i, 0)),
                   pvec(C2)),
        out_shape=(jax.ShapeDtypeStruct((B * S, C2), jnp.float32),
                   jax.ShapeDtypeStruct((B * S, C2), jnp.float32),
                   jax.ShapeDtypeStruct((NBLK, 2, C2), jnp.float32)),
    )(y1, p1, g1.reshape(1, C1), b1.reshape(1, C1), W2)

    out = pl.pallas_call(
        _p4_body,
        out_shape=jax.ShapeDtypeStruct((B * S, C2), jnp.float32),
    )(mx, mn, p2, g2.reshape(1, C2), b2.reshape(1, C2))
    return out


def _sc_params(tc_tiling=True):
    cp = pltpu.CompilerParams()
    if "needs_layout_passes" in pltpu.CompilerParams.__dataclass_fields__:
        cp = dataclasses.replace(cp, needs_layout_passes=False)
    if not tc_tiling:
        cp = dataclasses.replace(cp, use_tc_tiling_on_sc=False)
    return cp


NWORK = 32
CPW = (B * S) // NWORK
NCHUNK = N // 16


SB = 256


def _dist_body(nx_ref, xt_ref, m_ref):
    src = nx_ref[0]
    dst = xt_ref[0]
    mm = lax.dot_general(src, dst, (((1,), (0,)), ((), ())),
                         preferred_element_type=jnp.float32)
    s0 = src[:, 0] * src[:, 0]
    s1 = src[:, 1] * src[:, 1]
    s2 = src[:, 2] * src[:, 2]
    a2 = ((s0 + s1) + s2).reshape(SB, 1)
    d0 = dst[0] * dst[0]
    d1 = dst[1] * dst[1]
    d2 = dst[2] * dst[2]
    b2 = ((d0 + d1) + d2).reshape(1, N)
    d = (-2.0 * mm + a2) + b2
    m_ref[...] = jnp.logical_not(d > RADIUS ** 2).astype(jnp.int32)


def _dist_mask(new_xyz, xyzB):
    nj = S // SB
    return pl.pallas_call(
        _dist_body,
        grid=(B, nj),
        in_specs=[
            pl.BlockSpec((1, SB, 3), lambda b, j: (b, j, 0)),
            pl.BlockSpec((1, 3, N), lambda b, j: (b, 0, 0)),
        ],
        out_specs=pl.BlockSpec((SB, N), lambda b, j: (b * nj + j, 0)),
        out_shape=jax.ShapeDtypeStruct((B * S, N), jnp.int32),
    )(new_xyz, xyzB)


ROWB = 8
NCH = CPW // ROWB


def _sc_ball(maskf):
    mesh = plsc.VectorSubcoreMesh(core_axis_name="c", subcore_axis_name="s")

    @functools.partial(
        pl.kernel, mesh=mesh, compiler_params=_sc_params(),
        out_type=jax.ShapeDtypeStruct((M,), jnp.int32),
        scratch_types=[
            pltpu.VMEM((ROWB * N,), jnp.int32),
            pltpu.VMEM((ROWB * N,), jnp.int32),
            pltpu.VMEM((192,), jnp.int32),
            pltpu.VMEM((CPW * K,), jnp.int32),
            pltpu.SemaphoreType.DMA,
            pltpu.SemaphoreType.DMA,
        ],
    )
    def k(maskf_hbm, idx_hbm, mb0, mb1, buf, obuf, s0, s1):
        wid = lax.axis_index("s") * 2 + lax.axis_index("c")
        b = wid // (NWORK // B)
        cb = wid * CPW
        iota = lax.iota(jnp.int32, 16)
        bN = b * N

        def chunk_src(ci):
            return maskf_hbm.at[pl.ds((cb + ci * ROWB) * N, ROWB * N)]

        UNROLL = 8

        def do_rows(mbuf, ci):
            @pl.loop(0, ROWB)
            def _(r):
                rbase = r * N

                last = jnp.full((16,), 15, jnp.int32)

                def cond(st):
                    blk, cnt = st
                    return (cnt < K) & (blk < NCHUNK // UNROLL)

                def body(st):
                    blk, cnt = st
                    cntv = jnp.full((16,), cnt, jnp.int32)
                    base = rbase + blk * (UNROLL * 16)
                    for g in range(UNROLL):
                        sel = mbuf[pl.ds(base + g * 16, 16)]
                        ps = plsc.cumsum(sel)
                        plsc.store_scatter(
                            buf, [(cntv - 1) + ps],
                            iota + (blk * (UNROLL * 16) + g * 16),
                            mask=sel > 0)
                        cntv = cntv + jnp.take(ps, last)
                    return blk + 1, jnp.max(cntv)

                _, cnt = lax.while_loop(cond, body,
                                        (jnp.int32(0), jnp.int32(0)))
                firstv = plsc.load_gather(buf, [jnp.zeros((16,), jnp.int32)])
                j = ci * ROWB + r
                for g in range(K // 16):
                    lanes = iota + (g * 16)
                    v = buf[pl.ds(g * 16, 16)]
                    outg = jnp.where(lanes < cnt, v, firstv) + bN
                    plsc.store_scatter(obuf, [lanes + (j * K)], outg)

        pltpu.async_copy(chunk_src(0), mb0, s0)

        @pl.loop(0, NCH, step=2)
        def _(ci):
            pltpu.async_copy(chunk_src(ci + 1), mb1, s1)
            pltpu.make_async_copy(chunk_src(ci), mb0, s0).wait()
            do_rows(mb0, ci)

            @pl.when(ci + 2 < NCH)
            def _():
                pltpu.async_copy(chunk_src(ci + 2), mb0, s0)

            pltpu.make_async_copy(chunk_src(ci + 1), mb1, s1).wait()
            do_rows(mb1, ci + 1)

        pltpu.sync_copy(obuf, idx_hbm.at[pl.ds(wid * CPW * K, CPW * K)])

    return k(maskf)


def _sc_gather(q, idx):
    mesh = plsc.VectorSubcoreMesh(core_axis_name="c", subcore_axis_name="s")
    RPW = M // NWORK
    CH = 128

    @functools.partial(
        pl.kernel, mesh=mesh, compiler_params=_sc_params(tc_tiling=False),
        out_type=jax.ShapeDtypeStruct((M, C1), jnp.float32),
        scratch_types=[
            pltpu.VMEM((RPW,), jnp.int32),
            pltpu.VMEM((CH, C1), jnp.float32),
            pltpu.VMEM((CH, C1), jnp.float32),
            pltpu.SemaphoreType.DMA,
            pltpu.SemaphoreType.DMA,
        ],
    )
    def k(q_hbm, idx_hbm, g_hbm, idxv, rb0, rb1, s0, s1):
        wid = lax.axis_index("s") * 2 + lax.axis_index("c")
        base = wid * RPW
        pltpu.sync_copy(idx_hbm.at[pl.ds(base, RPW)], idxv)

        @pl.loop(0, RPW // CH, step=2)
        def _(c):
            h0 = pltpu.async_copy(q_hbm.at[idxv.at[pl.ds(c * CH, CH)]], rb0, s0)
            h1 = pltpu.async_copy(
                q_hbm.at[idxv.at[pl.ds((c + 1) * CH, CH)]], rb1, s1)
            h0.wait()
            pltpu.sync_copy(rb0, g_hbm.at[pl.ds(base + c * CH, CH)])
            h1.wait()
            pltpu.sync_copy(rb1, g_hbm.at[pl.ds(base + (c + 1) * CH, CH)])

    return k(q, idx)


def kernel(xyz, points, W0, g0, b0, W1, g1, b1, W2, g2, b2):
    xyzT = jnp.transpose(xyz, (2, 0, 1))
    cx, cy, cz = _fps(xyzT)
    new_xyz = jnp.stack([cx.T, cy.T, cz.T], axis=-1)

    xyzB = jnp.transpose(xyz, (0, 2, 1))
    q = _q_premul(points, xyzB, W0)
    nxT = jnp.stack([cx.T.reshape(-1), cy.T.reshape(-1), cz.T.reshape(-1)])
    c0 = _c0_premul(nxT, W0)

    mask = _dist_mask(new_xyz, xyzB)
    flat_idx = _sc_ball(mask.reshape(-1))
    G = _sc_gather(q, flat_idx)
    pooled = _mlp(G, c0, g0, b0, W1, g1, b1, W2, g2, b2)
    out = jnp.transpose(pooled.reshape(B, S, C2), (0, 2, 1))
    return new_xyz, out

# --- scband reference (transcript-rebuilt; emitter-appended) ---
"""Pipeline reference for scband-point-net-set-abstraction-9259949491067 (READ-ONLY COPY).

The authoritative reference and input builder live on the scoring server;
editing this copy changes nothing except your own understanding.
"""

import jax, jax.numpy as jnp
import numpy as np
from jax import lax

NPOINT = 512
RADIUS = 0.2
NSAMPLE = 32


def farthest_point_sampling(xyz, npoint):
    B, N, _ = xyz.shape

    def body(i, state):
        distance, farthest, centroids = state
        centroids = centroids.at[:, i].set(farthest)
        centroid = xyz[jnp.arange(B), farthest][:, None, :]
        dist = jnp.sum((xyz - centroid) ** 2, -1)
        distance = jnp.minimum(distance, dist)
        farthest = jnp.argmax(distance, -1).astype(jnp.int32)
        return (distance, farthest, centroids)

    distance = jnp.full((B, N), 1e10, dtype=xyz.dtype)
    farthest = jnp.zeros((B,), dtype=jnp.int32)
    centroids = jnp.zeros((B, npoint), dtype=jnp.int32)
    _, _, centroids = lax.fori_loop(0, npoint, body, (distance, farthest, centroids))
    return centroids


def index_points(points, idx):
    B, N, C = points.shape
    offset = jnp.arange(B, dtype=idx.dtype).reshape((B,) + (1,) * (idx.ndim - 1)) * N
    flat = points.reshape(-1, C)
    out = flat[(idx + offset).reshape(-1)]
    return out.reshape(idx.shape + (C,))


def square_distance(src, dst):
    dist = -2.0 * jnp.matmul(src, jnp.transpose(dst, (0, 2, 1)))
    dist += jnp.sum(src ** 2, -1)[:, :, None]
    dist += jnp.sum(dst ** 2, -1)[:, None, :]
    return dist


def query_ball_point(radius, nsample, xyz, new_xyz):
    B, N, _ = xyz.shape
    S = new_xyz.shape[1]
    sqrdists = square_distance(new_xyz, xyz)
    group_idx = jnp.broadcast_to(jnp.arange(N, dtype=jnp.int32), (B, S, N))
    group_idx = jnp.where(sqrdists > radius ** 2, N, group_idx)
    group_idx = jnp.sort(group_idx, axis=-1)[:, :, :nsample]
    first = group_idx[:, :, :1]
    first = jnp.where(first == N, 0, first)
    group_idx = jnp.where(group_idx == N, first, group_idx)
    return group_idx


def batchnorm(x, gamma, beta):
    mean = jnp.mean(x, axis=(0, 2, 3), keepdims=True)
    var = jnp.var(x, axis=(0, 2, 3), keepdims=True)
    xn = (x - mean) / jnp.sqrt(var + 1e-5)
    return xn * gamma.reshape(1, -1, 1, 1) + beta.reshape(1, -1, 1, 1)


def setup_inputs(seed: int = 0):
    key = jax.random.key(seed)
    ks = jax.random.split(key, 6)
    xyz = jax.random.uniform(ks[0], (8, 4096, 3), dtype=jnp.float32)
    points = jax.random.normal(ks[1], (8, 64, 4096), dtype=jnp.float32)
    W0 = jax.random.normal(ks[2], (64, 67), dtype=jnp.float32) * 0.1
    W1 = jax.random.normal(ks[3], (64, 64), dtype=jnp.float32) * 0.1
    W2 = jax.random.normal(ks[4], (128, 64), dtype=jnp.float32) * 0.1
    return {"xyz": xyz, "points": points,
            "W0": W0, "g0": jnp.ones(64, jnp.float32), "b0": jnp.zeros(64, jnp.float32),
            "W1": W1, "g1": jnp.ones(64, jnp.float32), "b1": jnp.zeros(64, jnp.float32),
            "W2": W2, "g2": jnp.ones(128, jnp.float32), "b2": jnp.zeros(128, jnp.float32)}


def reference(xyz, points, W0, g0, b0, W1, g1, b1, W2, g2, b2):
    fps_idx = farthest_point_sampling(xyz, NPOINT)
    new_xyz = index_points(xyz, fps_idx)
    idx = query_ball_point(RADIUS, NSAMPLE, xyz, new_xyz)
    grouped_xyz = index_points(xyz, idx) - new_xyz[:, :, None, :]
    grouped_pts = index_points(jnp.transpose(points, (0, 2, 1)), idx)
    feats = jnp.concatenate([jnp.transpose(grouped_xyz, (0, 3, 1, 2)),
                             jnp.transpose(grouped_pts, (0, 3, 1, 2))], axis=1)
    for W, g, b in ((W0, g0, b0), (W1, g1, b1), (W2, g2, b2)):
        feats = jnp.einsum('oc,bcsk->bosk', W, feats)
        feats = batchnorm(feats, g, b)
        feats = jax.nn.relu(feats)
    return new_xyz, jnp.max(feats, axis=-1)

if __name__ == "__main__":
    import jax
    _d = setup_inputs()
    print(jax.jit(kernel)(*tuple(_d.values())))

</pallas_src>

<mosaic_0001>
#map = affine_map<(d0, d1) -> (0)>
module attributes {stable_mosaic.version = 14 : i64} {
  func.func @k(%arg0: i32, %arg1: i32, %arg2: memref<16777216xi32, #tpu.memory_space<hbm>>, %arg3: memref<131072xi32, #tpu.memory_space<hbm>>, %arg4: memref<32768xi32, #tpu.memory_space<vmem>>, %arg5: memref<32768xi32, #tpu.memory_space<vmem>>, %arg6: memref<192xi32, #tpu.memory_space<vmem>>, %arg7: memref<4096xi32, #tpu.memory_space<vmem>>, %arg8: memref<!tpu.dma_semaphore, #tpu.memory_space<semaphore_mem>>, %arg9: memref<!tpu.dma_semaphore, #tpu.memory_space<semaphore_mem>>) attributes {dimension_semantics = [#tpu.dimension_semantics<core_parallel>, #tpu.dimension_semantics<subcore_parallel>], iteration_bounds = array<i64: 2, 16>, scalar_prefetch = 0 : i64, scratch_operands = 6 : i64, tpu.core_type = #tpu.core_type<sc_vector_subcore>, window_params = [{transform_indices = #map}, {transform_indices = #map}]} {
    %mul3A = arith.constant 2 : i32
    %mul3A_0 = arith.muli %arg1, %mul3A : i32
    %add3A = arith.addi %mul3A_0, %arg0 : i32
    %jit3A = arith.constant 4 : i32
    %div3A = arith.divsi %add3A, %jit3A : i32
    %sign3A = arith.constant 0 : i32
    %sign3A_1 = arith.cmpi sgt, %add3A, %sign3A : i32
    %sign3A_2 = arith.extui %sign3A_1 : i1 to i32
    %sign3A_3 = arith.constant 0 : i32
    %sign3A_4 = arith.cmpi slt, %add3A, %sign3A_3 : i32
    %sign3A_5 = arith.extui %sign3A_4 : i1 to i32
    %sign3A_6 = arith.subi %sign3A_2, %sign3A_5 : i32
    %sign3A_7 = arith.constant 0 : i32
    %sign3A_8 = arith.cmpi sgt, %jit3A, %sign3A_7 : i32
    %sign3A_9 = arith.extui %sign3A_8 : i1 to i32
    %sign3A_10 = arith.constant 0 : i32
    %sign3A_11 = arith.cmpi slt, %jit3A, %sign3A_10 : i32
    %sign3A_12 = arith.extui %sign3A_11 : i1 to i32
    %sign3A_13 = arith.subi %sign3A_9, %sign3A_12 : i32
    %ne3A = arith.cmpi ne, %sign3A_6, %sign3A_13 : i32
    %rem3A = arith.remsi %add3A, %jit3A : i32
    %ne3A_14 = arith.constant 0 : i32
    %ne3A_15 = arith.cmpi ne, %rem3A, %ne3A_14 : i32
    %and3A = arith.andi %ne3A, %ne3A_15 : i1
    %sub3A = arith.constant 1 : i32
    %sub3A_16 = arith.subi %div3A, %sub3A : i32
    %select_n3A = arith.select %and3A, %sub3A_16, %div3A : i32
    %mul3A_17 = arith.constant 128 : i32
    %mul3A_18 = arith.muli %add3A, %mul3A_17 : i32
    %iota3A = tpu.iota {dimensions = array<i32: 0>} : vector<16xi32>
    %mul3A_19 = arith.constant 4096 : i32
    %mul3A_20 = arith.muli %select_n3A, %mul3A_19 : i32
    %add3A_21 = arith.constant 0 : i32
    %add3A_22 = arith.addi %mul3A_18, %add3A_21 : i32
    %mul3A_23 = arith.constant 4096 : i32
    %mul3A_24 = arith.muli %add3A_22, %mul3A_23 : i32
    %dma_start3A = tpu.memref_slice %arg2[%mul3A_24] : memref<16777216xi32, #tpu.memory_space<hbm>> -> memref<32768xi32, #tpu.memory_space<hbm>>
    %dma_start3A_25 = tpu.memref_slice %arg2[%mul3A_24] : memref<16777216xi32, #tpu.memory_space<hbm>> -> memref<32768xi32, #tpu.memory_space<hbm>>
    tpu.enqueue_dma source(%dma_start3A_25 : memref<32768xi32, #tpu.memory_space<hbm>>) target(%arg4 : memref<32768xi32, #tpu.memory_space<vmem>>) target_semaphore(%arg8 : memref<!tpu.dma_semaphore, #tpu.memory_space<semaphore_mem>>)
    %scan3A = arith.constant 0 : i32
    %scan3A_26 = arith.constant 8 : i32
    %scan3A_27 = arith.addi %scan3A, %scan3A_26 : i32
    %scan3A_28 = arith.constant 1 : i32
    scf.for %scan3A_34 = %scan3A to %scan3A_27 step %scan3A_28  : i32 {
      %mul3A_35 = arith.constant 2 : i32
      %mul3A_36 = arith.muli %scan3A_34, %mul3A_35 : i32
      %add3A_37 = arith.constant 0 : i32
      %add3A_38 = arith.addi %add3A_37, %mul3A_36 : i32
      %add3A_39 = arith.constant 1 : i32
      %add3A_40 = arith.addi %add3A_38, %add3A_39 : i32
      %mul3A_41 = arith.constant 8 : i32
      %mul3A_42 = arith.muli %add3A_40, %mul3A_41 : i32
      %add3A_43 = arith.addi %mul3A_18, %mul3A_42 : i32
      %mul3A_44 = arith.constant 4096 : i32
      %mul3A_45 = arith.muli %add3A_43, %mul3A_44 : i32
      %dma_start3A_46 = tpu.memref_slice %arg2[%mul3A_45] : memref<16777216xi32, #tpu.memory_space<hbm>> -> memref<32768xi32, #tpu.memory_space<hbm>>
      %dma_start3A_47 = tpu.memref_slice %arg2[%mul3A_45] : memref<16777216xi32, #tpu.memory_space<hbm>> -> memref<32768xi32, #tpu.memory_space<hbm>>
      tpu.enqueue_dma source(%dma_start3A_47 : memref<32768xi32, #tpu.memory_space<hbm>>) target(%arg5 : memref<32768xi32, #tpu.memory_space<vmem>>) target_semaphore(%arg9 : memref<!tpu.dma_semaphore, #tpu.memory_space<semaphore_mem>>)
      %mul3A_48 = arith.constant 8 : i32
      %mul3A_49 = arith.muli %add3A_38, %mul3A_48 : i32
      %add3A_50 = arith.addi %mul3A_18, %mul3A_49 : i32
      %mul3A_51 = arith.constant 4096 : i32
      %mul3A_52 = arith.muli %add3A_50, %mul3A_51 : i32
      %dma_wait3A = tpu.memref_slice %arg2[%mul3A_52] : memref<16777216xi32, #tpu.memory_space<hbm>> -> memref<32768xi32, #tpu.memory_space<hbm>>
      %dma_wait3A_53 = tpu.memref_slice %arg2[%mul3A_52] : memref<16777216xi32, #tpu.memory_space<hbm>> -> memref<32768xi32, #tpu.memory_space<hbm>>
      tpu.wait_dma2 semaphore(%arg8 : memref<!tpu.dma_semaphore, #tpu.memory_space<semaphore_mem>>) src(%dma_wait3A_53 : memref<32768xi32, #tpu.memory_space<hbm>>) dst(%arg4 : memref<32768xi32, #tpu.memory_space<vmem>>)
      %scan3A_54 = arith.constant 0 : i32
      %scan3A_55 = arith.constant 8 : i32
      %scan3A_56 = arith.addi %scan3A_54, %scan3A_55 : i32
      %scan3A_57 = arith.constant 1 : i32
      scf.for %scan3A_79 = %scan3A_54 to %scan3A_56 step %scan3A_57  : i32 {
        %mul3A_80 = arith.constant 1 : i32
        %mul3A_81 = arith.muli %scan3A_79, %mul3A_80 : i32
        %add3A_82 = arith.constant 0 : i32
        %add3A_83 = arith.addi %add3A_82, %mul3A_81 : i32
        %mul3A_84 = arith.constant 4096 : i32
        %mul3A_85 = arith.muli %add3A_83, %mul3A_84 : i32
        %broadcast_in_dim3A = arith.constant 15 : i32
        %broadcast_in_dim3A_86 = vector.broadcast %broadcast_in_dim3A : i32 to vector<16xi32>
        %while3A = arith.constant 0 : i32
        %while3A_87 = arith.constant 0 : i32
        %while3A_88:2 = scf.while (%while3A_121 = %while3A, %while3A_122 = %while3A_87) : (i32, i32) -> (i32, i32) {
          %lt3A_123 = arith.constant 32 : i32
          %lt3A_124 = arith.cmpi slt, %while3A_122, %lt3A_123 : i32
          %lt3A_125 = arith.constant 32 : i32
          %lt3A_126 = arith.cmpi slt, %while3A_121, %lt3A_125 : i32
          %and3A_127 = arith.andi %lt3A_124, %lt3A_126 : i1
          scf.condition(%and3A_127) %while3A_121, %while3A_122 : i32, i32
        } do {
        ^bb0(%while3A_121: i32, %while3A_122: i32):
          %broadcast_in_dim3A_123 = vector.broadcast %while3A_122 : i32 to vector<16xi32>
          %mul3A_124 = arith.constant 128 : i32
          %mul3A_125 = arith.muli %while3A_121, %mul3A_124 : i32
          %add3A_126 = arith.addi %mul3A_85, %mul3A_125 : i32
          %add3A_127 = arith.constant 0 : i32
          %add3A_128 = arith.addi %add3A_126, %add3A_127 : i32
          %get3A_129 = arith.index_cast %add3A_128 : i32 to index
          %get3A_130 = tpu.vector_load %arg4[%get3A_129] {strides = array<i32>} : memref<32768xi32, #tpu.memory_space<vmem>>, vector<16xi32>,
          %broadcast_in_dim3A_131 = arith.constant true
          %broadcast_in_dim3A_132 = vector.broadcast %broadcast_in_dim3A_131 : i1 to vector<16xi1>
          %masked_cumsum3A = tpu.scan <sum>, %get3A_130 masked %broadcast_in_dim3A_132 : vector<16xi32>, vector<16xi1> -> vector<16xi32>
          %sub3A_133 = arith.constant 1 : i32
          %sub3A_134 = vector.broadcast %sub3A_133 : i32 to vector<16xi32>
          %sub3A_135 = arith.subi %broadcast_in_dim3A_123, %sub3A_134 : vector<16xi32>
          %add3A_136 = arith.addi %sub3A_135, %masked_cumsum3A : vector<16xi32>
          %mul3A_137 = arith.constant 128 : i32
          %mul3A_138 = arith.muli %while3A_121, %mul3A_137 : i32
          %add3A_139 = arith.constant 0 : i32
          %add3A_140 = arith.addi %mul3A_138, %add3A_139 : i32
          %add3A_141 = vector.broadcast %add3A_140 : i32 to vector<16xi32>
          %add3A_142 = arith.addi %iota3A, %add3A_141 : vector<16xi32>
          %gt3A = arith.constant 0 : i32
          %gt3A_143 = vector.broadcast %gt3A : i32 to vector<16xi32>
          %gt3A_144 = arith.cmpi sgt, %get3A_130, %gt3A_143 : vector<16xi32>
          tpu.vector_store_idx %arg6[%add3A_136], %add3A_142 masked %gt3A_144 : memref<192xi32, #tpu.memory_space<vmem>>[vector<16xi32>], vector<16xi32>, vector<16xi1>
          %lt3A_145 = arith.constant 0 : i32
          %lt3A_146 = vector.broadcast %lt3A_145 : i32 to vector<16xi32>
          %lt3A_147 = arith.cmpi slt, %broadcast_in_dim3A_86, %lt3A_146 : vector<16xi32>
          %add3A_148 = arith.constant 16 : i32
          %add3A_149 = vector.broadcast %add3A_148 : i32 to vector<16xi32>
          %add3A_150 = arith.addi %broadcast_in_dim3A_86, %add3A_149 : vector<16xi32>
          %select_n3A_151 = arith.select %lt3A_147, %add3A_150, %broadcast_in_dim3A_86 : vector<16xi1>, vector<16xi32>
          %broadcast_in_dim3A_152 = vector.shape_cast %select_n3A_151 : vector<16xi32> to vector<16x1xi32>
          %gather3A_153 = vector.shape_cast %broadcast_in_dim3A_152 : vector<16x1xi32> to vector<16xi32>
          %gather3A_154 = tpu.dynamic_gather %masked_cumsum3A[%gather3A_153] in [0] : vector<16xi32>, vector<16xi32> -> vector<16xi32>
          %add3A_155 = arith.addi %broadcast_in_dim3A_123, %gather3A_154 : vector<16xi32>
          %add3A_156 = arith.constant 16 : i32
          %add3A_157 = arith.addi %add3A_126, %add3A_156 : i32
          %get3A_158 = arith.index_cast %add3A_157 : i32 to index
          %get3A_159 = tpu.vector_load %arg4[%get3A_158] {strides = array<i32>} : memref<32768xi32, #tpu.memory_space<vmem>>, vector<16xi32>,
          %broadcast_in_dim3A_160 = arith.constant true
          %broadcast_in_dim3A_161 = vector.broadcast %broadcast_in_dim3A_160 : i1 to vector<16xi1>
          %masked_cumsum3A_162 = tpu.scan <sum>, %get3A_159 masked %broadcast_in_dim3A_161 : vector<16xi32>, vector<16xi1> -> vector<16xi32>
          %sub3A_163 = arith.constant 1 : i32
          %sub3A_164 = vector.broadcast %sub3A_163 : i32 to vector<16xi32>
          %sub3A_165 = arith.subi %add3A_155, %sub3A_164 : vector<16xi32>
          %add3A_166 = arith.addi %sub3A_165, %masked_cumsum3A_162 : vector<16xi32>
          %mul3A_167 = arith.constant 128 : i32
          %mul3A_168 = arith.muli %while3A_121, %mul3A_167 : i32
          %add3A_169 = arith.constant 16 : i32
          %add3A_170 = arith.addi %mul3A_168, %add3A_169 : i32
          %add3A_171 = vector.broadcast %add3A_170 : i32 to vector<16xi32>
          %add3A_172 = arith.addi %iota3A, %add3A_171 : vector<16xi32>
          %gt3A_173 = arith.constant 0 : i32
          %gt3A_174 = vector.broadcast %gt3A_173 : i32 to vector<16xi32>
          %gt3A_175 = arith.cmpi sgt, %get3A_159, %gt3A_174 : vector<16xi32>
          tpu.vector_store_idx %arg6[%add3A_166], %add3A_172 masked %gt3A_175 : memref<192xi32, #tpu.memory_space<vmem>>[vector<16xi32>], vector<16xi32>, vector<16xi1>
          %lt3A_176 = arith.constant 0 : i32
          %lt3A_177 = vector.broadcast %lt3A_176 : i32 to vector<16xi32>
          %lt3A_178 = arith.cmpi slt, %broadcast_in_dim3A_86, %lt3A_177 : vector<16xi32>
          %add3A_179 = arith.constant 16 : i32
          %add3A_180 = vector.broadcast %add3A_179 : i32 to vector<16xi32>
          %add3A_181 = arith.addi %broadcast_in_dim3A_86, %add3A_180 : vector<16xi32>
          %select_n3A_182 = arith.select %lt3A_178, %add3A_181, %broadcast_in_dim3A_86 : vector<16xi1>, vector<16xi32>
          %broadcast_in_dim3A_183 = vector.shape_cast %select_n3A_182 : vector<16xi32> to vector<16x1xi32>
          %gather3A_184 = vector.shape_cast %broadcast_in_dim3A_183 : vector<16x1xi32> to vector<16xi32>
          %gather3A_185 = tpu.dynamic_gather %masked_cumsum3A_162[%gather3A_184] in [0] : vector<16xi32>, vector<16xi32> -> vector<16xi32>
          %add3A_186 = arith.addi %add3A_155, %gather3A_185 : vector<16xi32>
          %add3A_187 = arith.constant 32 : i32
          %add3A_188 = arith.addi %add3A_126, %add3A_187 : i32
          %get3A_189 = arith.index_cast %add3A_188 : i32 to index
          %get3A_190 = tpu.vector_load %arg4[%get3A_189] {strides = array<i32>} : memref<32768xi32, #tpu.memory_space<vmem>>, vector<16xi32>,
          %broadcast_in_dim3A_191 = arith.constant true
          %broadcast_in_dim3A_192 = vector.broadcast %broadcast_in_dim3A_191 : i1 to vector<16xi1>
          %masked_cumsum3A_193 = tpu.scan <sum>, %get3A_190 masked %broadcast_in_dim3A_192 : vector<16xi32>, vector<16xi1> -> vector<16xi32>
          %sub3A_194 = arith.constant 1 : i32
          %sub3A_195 = vector.broadcast %sub3A_194 : i32 to vector<16xi32>
          %sub3A_196 = arith.subi %add3A_186, %sub3A_195 : vector<16xi32>
          %add3A_197 = arith.addi %sub3A_196, %masked_cumsum3A_193 : vector<16xi32>
          %mul3A_198 = arith.constant 128 : i32
          %mul3A_199 = arith.muli %while3A_121, %mul3A_198 : i32
          %add3A_200 = arith.constant 32 : i32
          %add3A_201 = arith.addi %mul3A_199, %add3A_200 : i32
          %add3A_202 = vector.broadcast %add3A_201 : i32 to vector<16xi32>
          %add3A_203 = arith.addi %iota3A, %add3A_202 : vector<16xi32>
          %gt3A_204 = arith.constant 0 : i32
          %gt3A_205 = vector.broadcast %gt3A_204 : i32 to vector<16xi32>
          %gt3A_206 = arith.cmpi sgt, %get3A_190, %gt3A_205 : vector<16xi32>
          tpu.vector_store_idx %arg6[%add3A_197], %add3A_203 masked %gt3A_206 : memref<192xi32, #tpu.memory_space<vmem>>[vector<16xi32>], vector<16xi32>, vector<16xi1>
          %lt3A_207 = arith.constant 0 : i32
          %lt3A_208 = vector.broadcast %lt3A_207 : i32 to vector<16xi32>
          %lt3A_209 = arith.cmpi slt, %broadcast_in_dim3A_86, %lt3A_208 : vector<16xi32>
          %add3A_210 = arith.constant 16 : i32
          %add3A_211 = vector.broadcast %add3A_210 : i32 to vector<16xi32>
          %add3A_212 = arith.addi %broadcast_in_dim3A_86, %add3A_211 : vector<16xi32>
          %select_n3A_213 = arith.select %lt3A_209, %add3A_212, %broadcast_in_dim3A_86 : vector<16xi1>, vector<16xi32>
          %broadcast_in_dim3A_214 = vector.shape_cast %select_n3A_213 : vector<16xi32> to vector<16x1xi32>
          %gather3A_215 = vector.shape_cast %broadcast_in_dim3A_214 : vector<16x1xi32> to vector<16xi32>
          %gather3A_216 = tpu.dynamic_gather %masked_cumsum3A_193[%gather3A_215] in [0] : vector<16xi32>, vector<16xi32> -> vector<16xi32>
          %add3A_217 = arith.addi %add3A_186, %gather3A_216 : vector<16xi32>
          %add3A_218 = arith.constant 48 : i32
          %add3A_219 = arith.addi %add3A_126, %add3A_218 : i32
          %get3A_220 = arith.index_cast %add3A_219 : i32 to index
          %get3A_221 = tpu.vector_load %arg4[%get3A_220] {strides = array<i32>} : memref<32768xi32, #tpu.memory_space<vmem>>, vector<16xi32>,
          %broadcast_in_dim3A_222 = arith.constant true
          %broadcast_in_dim3A_223 = vector.broadcast %broadcast_in_dim3A_222 : i1 to vector<16xi1>
          %masked_cumsum3A_224 = tpu.scan <sum>, %get3A_221 masked %broadcast_in_dim3A_223 : vector<16xi32>, vector<16xi1> -> vector<16xi32>
          %sub3A_225 = arith.constant 1 : i32
          %sub3A_226 = vector.broadcast %sub3A_225 : i32 to vector<16xi32>
          %sub3A_227 = arith.subi %add3A_217, %sub3A_226 : vector<16xi32>
          %add3A_228 = arith.addi %sub3A_227, %masked_cumsum3A_224 : vector<16xi32>
          %mul3A_229 = arith.constant 128 : i32
          %mul3A_230 = arith.muli %while3A_121, %mul3A_229 : i32
          %add3A_231 = arith.constant 48 : i32
          %add3A_232 = arith.addi %mul3A_230, %add3A_231 : i32
          %add3A_233 = vector.broadcast %add3A_232 : i32 to vector<16xi32>
          %add3A_234 = arith.addi %iota3A, %add3A_233 : vector<16xi32>
          %gt3A_235 = arith.constant 0 : i32
          %gt3A_236 = vector.broadcast %gt3A_235 : i32 to vector<16xi32>
          %gt3A_237 = arith.cmpi sgt, %get3A_221, %gt3A_236 : vector<16xi32>
          tpu.vector_store_idx %arg6[%add3A_228], %add3A_234 masked %gt3A_237 : memref<192xi32, #tpu.memory_space<vmem>>[vector<16xi32>], vector<16xi32>, vector<16xi1>
          %lt3A_238 = arith.constant 0 : i32
          %lt3A_239 = vector.broadcast %lt3A_238 : i32 to vector<16xi32>
          %lt3A_240 = arith.cmpi slt, %broadcast_in_dim3A_86, %lt3A_239 : vector<16xi32>
          %add3A_241 = arith.constant 16 : i32
          %add3A_242 = vector.broadcast %add3A_241 : i32 to vector<16xi32>
          %add3A_243 = arith.addi %broadcast_in_dim3A_86, %add3A_242 : vector<16xi32>
          %select_n3A_244 = arith.select %lt3A_240, %add3A_243, %broadcast_in_dim3A_86 : vector<16xi1>, vector<16xi32>
          %broadcast_in_dim3A_245 = vector.shape_cast %select_n3A_244 : vector<16xi32> to vector<16x1xi32>
          %gather3A_246 = vector.shape_cast %broadcast_in_dim3A_245 : vector<16x1xi32> to vector<16xi32>
          %gather3A_247 = tpu.dynamic_gather %masked_cumsum3A_224[%gather3A_246] in [0] : vector<16xi32>, vector<16xi32> -> vector<16xi32>
          %add3A_248 = arith.addi %add3A_217, %gather3A_247 : vector<16xi32>
          %add3A_249 = arith.constant 64 : i32
          %add3A_250 = arith.addi %add3A_126, %add3A_249 : i32
          %get3A_251 = arith.index_cast %add3A_250 : i32 to index
          %get3A_252 = tpu.vector_load %arg4[%get3A_251] {strides = array<i32>} : memref<32768xi32, #tpu.memory_space<vmem>>, vector<16xi32>,
          %broadcast_in_dim3A_253 = arith.constant true
          %broadcast_in_dim3A_254 = vector.broadcast %broadcast_in_dim3A_253 : i1 to vector<16xi1>
          %masked_cumsum3A_255 = tpu.scan <sum>, %get3A_252 masked %broadcast_in_dim3A_254 : vector<16xi32>, vector<16xi1> -> vector<16xi32>
          %sub3A_256 = arith.constant 1 : i32
          %sub3A_257 = vector.broadcast %sub3A_256 : i32 to vector<16xi32>
          %sub3A_258 = arith.subi %add3A_248, %sub3A_257 : vector<16xi32>
          %add3A_259 = arith.addi %sub3A_258, %masked_cumsum3A_255 : vector<16xi32>
          %mul3A_260 = arith.constant 128 : i32
          %mul3A_261 = arith.muli %while3A_121, %mul3A_260 : i32
          %add3A_262 = arith.constant 64 : i32
          %add3A_263 = arith.addi %mul3A_261, %add3A_262 : i32
          %add3A_264 = vector.broadcast %add3A_263 : i32 to vector<16xi32>
          %add3A_265 = arith.addi %iota3A, %add3A_264 : vector<16xi32>
          %gt3A_266 = arith.constant 0 : i32
          %gt3A_267 = vector.broadcast %gt3A_266 : i32 to vector<16xi32>
          %gt3A_268 = arith.cmpi sgt, %get3A_252, %gt3A_267 : vector<16xi32>
          tpu.vector_store_idx %arg6[%add3A_259], %add3A_265 masked %gt3A_268 : memref<192xi32, #tpu.memory_space<vmem>>[vector<16xi32>], vector<16xi32>, vector<16xi1>
          %lt3A_269 = arith.constant 0 : i32
          %lt3A_270 = vector.broadcast %lt3A_269 : i32 to vector<16xi32>
          %lt3A_271 = arith.cmpi slt, %broadcast_in_dim3A_86, %lt3A_270 : vector<16xi32>
          %add3A_272 = arith.constant 16 : i32
          %add3A_273 = vector.broadcast %add3A_272 : i32 to vector<16xi32>
          %add3A_274 = arith.addi %broadcast_in_dim3A_86, %add3A_273 : vector<16xi32>
          %select_n3A_275 = arith.select %lt3A_271, %add3A_274, %broadcast_in_dim3A_86 : vector<16xi1>, vector<16xi32>
          %broadcast_in_dim3A_276 = vector.shape_cast %select_n3A_275 : vector<16xi32> to vector<16x1xi32>
          %gather3A_277 = vector.shape_cast %broadcast_in_dim3A_276 : vector<16x1xi32> to vector<16xi32>
          %gather3A_278 = tpu.dynamic_gather %masked_cumsum3A_255[%gather3A_277] in [0] : vector<16xi32>, vector<16xi32> -> vector<16xi32>
          %add3A_279 = arith.addi %add3A_248, %gather3A_278 : vector<16xi32>
          %add3A_280 = arith.constant 80 : i32
          %add3A_281 = arith.addi %add3A_126, %add3A_280 : i32
          %get3A_282 = arith.index_cast %add3A_281 : i32 to index
          %get3A_283 = tpu.vector_load %arg4[%get3A_282] {strides = array<i32>} : memref<32768xi32, #tpu.memory_space<vmem>>, vector<16xi32>,
          %broadcast_in_dim3A_284 = arith.constant true
          %broadcast_in_dim3A_285 = vector.broadcast %broadcast_in_dim3A_284 : i1 to vector<16xi1>
          %masked_cumsum3A_286 = tpu.scan <sum>, %get3A_283 masked %broadcast_in_dim3A_285 : vector<16xi32>, vector<16xi1> -> vector<16xi32>
          %sub3A_287 = arith.constant 1 : i32
          %sub3A_288 = vector.broadcast %sub3A_287 : i32 to vector<16xi32>
          %sub3A_289 = arith.subi %add3A_279, %sub3A_288 : vector<16xi32>
          %add3A_290 = arith.addi %sub3A_289, %masked_cumsum3A_286 : vector<16xi32>
          %mul3A_291 = arith.constant 128 : i32
          %mul3A_292 = arith.muli %while3A_121, %mul3A_291 : i32
          %add3A_293 = arith.constant 80 : i32
          %add3A_294 = arith.addi %mul3A_292, %add3A_293 : i32
          %add3A_295 = vector.broadcast %add3A_294 : i32 to vector<16xi32>
          %add3A_296 = arith.addi %iota3A, %add3A_295 : vector<16xi32>
          %gt3A_297 = arith.constant 0 : i32
          %gt3A_298 = vector.broadcast %gt3A_297 : i32 to vector<16xi32>
          %gt3A_299 = arith.cmpi sgt, %get3A_283, %gt3A_298 : vector<16xi32>
          tpu.vector_store_idx %arg6[%add3A_290], %add3A_296 masked %gt3A_299 : memref<192xi32, #tpu.memory_space<vmem>>[vector<16xi32>], vector<16xi32>, vector<16xi1>
          %lt3A_300 = arith.constant 0 : i32
          %lt3A_301 = vector.broadcast %lt3A_300 : i32 to vector<16xi32>
          %lt3A_302 = arith.cmpi slt, %broadcast_in_dim3A_86, %lt3A_301 : vector<16xi32>
          %add3A_303 = arith.constant 16 : i32
          %add3A_304 = vector.broadcast %add3A_303 : i32 to vector<16xi32>
          %add3A_305 = arith.addi %broadcast_in_dim3A_86, %add3A_304 : vector<16xi32>
          %select_n3A_306 = arith.select %lt3A_302, %add3A_305, %broadcast_in_dim3A_86 : vector<16xi1>, vector<16xi32>
          %broadcast_in_dim3A_307 = vector.shape_cast %select_n3A_306 : vector<16xi32> to vector<16x1xi32>
          %gather3A_308 = vector.shape_cast %broadcast_in_dim3A_307 : vector<16x1xi32> to vector<16xi32>
          %gather3A_309 = tpu.dynamic_gather %masked_cumsum3A_286[%gather3A_308] in [0] : vector<16xi32>, vector<16xi32> -> vector<16xi32>
          %add3A_310 = arith.addi %add3A_279, %gather3A_309 : vector<16xi32>
          %add3A_311 = arith.constant 96 : i32
          %add3A_312 = arith.addi %add3A_126, %add3A_311 : i32
          %get3A_313 = arith.index_cast %add3A_312 : i32 to index
          %get3A_314 = tpu.vector_load %arg4[%get3A_313] {strides = array<i32>} : memref<32768xi32, #tpu.memory_space<vmem>>, vector<16xi32>,
          %broadcast_in_dim3A_315 = arith.constant true
          %broadcast_in_dim3A_316 = vector.broadcast %broadcast_in_dim3A_315 : i1 to vector<16xi1>
          %masked_cumsum3A_317 = tpu.scan <sum>, %get3A_314 masked %broadcast_in_dim3A_316 : vector<16xi32>, vector<16xi1> -> vector<16xi32>
          %sub3A_318 = arith.constant 1 : i32
          %sub3A_319 = vector.broadcast %sub3A_318 : i32 to vector<16xi32>
          %sub3A_320 = arith.subi %add3A_310, %sub3A_319 : vector<16xi32>
          %add3A_321 = arith.addi %sub3A_320, %masked_cumsum3A_317 : vector<16xi32>
          %mul3A_322 = arith.constant 128 : i32
          %mul3A_323 = arith.muli %while3A_121, %mul3A_322 : i32
          %add3A_324 = arith.constant 96 : i32
          %add3A_325 = arith.addi %mul3A_323, %add3A_324 : i32
          %add3A_326 = vector.broadcast %add3A_325 : i32 to vector<16xi32>
          %add3A_327 = arith.addi %iota3A, %add3A_326 : vector<16xi32>
          %gt3A_328 = arith.constant 0 : i32
          %gt3A_329 = vector.broadcast %gt3A_328 : i32 to vector<16xi32>
          %gt3A_330 = arith.cmpi sgt, %get3A_314, %gt3A_329 : vector<16xi32>
          tpu.vector_store_idx %arg6[%add3A_321], %add3A_327 masked %gt3A_330 : memref<192xi32, #tpu.memory_space<vmem>>[vector<16xi32>], vector<16xi32>, vector<16xi1>
          %lt3A_331 = arith.constant 0 : i32
          %lt3A_332 = vector.broadcast %lt3A_331 : i32 to vector<16xi32>
          %lt3A_333 = arith.cmpi slt, %broadcast_in_dim3A_86, %lt3A_332 : vector<16xi32>
          %add3A_334 = arith.constant 16 : i32
          %add3A_335 = vector.broadcast %add3A_334 : i32 to vector<16xi32>
          %add3A_336 = arith.addi %broadcast_in_dim3A_86, %add3A_335 : vector<16xi32>
          %select_n3A_337 = arith.select %lt3A_333, %add3A_336, %broadcast_in_dim3A_86 : vector<16xi1>, vector<16xi32>
          %broadcast_in_dim3A_338 = vector.shape_cast %select_n3A_337 : vector<16xi32> to vector<16x1xi32>
          %gather3A_339 = vector.shape_cast %broadcast_in_dim3A_338 : vector<16x1xi32> to vector<16xi32>
          %gather3A_340 = tpu.dynamic_gather %masked_cumsum3A_317[%gather3A_339] in [0] : vector<16xi32>, vector<16xi32> -> vector<16xi32>
          %add3A_341 = arith.addi %add3A_310, %gather3A_340 : vector<16xi32>
          %add3A_342 = arith.constant 112 : i32
          %add3A_343 = arith.addi %add3A_126, %add3A_342 : i32
          %get3A_344 = arith.index_cast %add3A_343 : i32 to index
          %get3A_345 = tpu.vector_load %arg4[%get3A_344] {strides = array<i32>} : memref<32768xi32, #tpu.memory_space<vmem>>, vector<16xi32>,
          %broadcast_in_dim3A_346 = arith.constant true
          %broadcast_in_dim3A_347 = vector.broadcast %broadcast_in_dim3A_346 : i1 to vector<16xi1>
          %masked_cumsum3A_348 = tpu.scan <sum>, %get3A_345 masked %broadcast_in_dim3A_347 : vector<16xi32>, vector<16xi1> -> vector<16xi32>
          %sub3A_349 = arith.constant 1 : i32
          %sub3A_350 = vector.broadcast %sub3A_349 : i32 to vector<16xi32>
          %sub3A_351 = arith.subi %add3A_341, %sub3A_350 : vector<16xi32>
          %add3A_352 = arith.addi %sub3A_351, %masked_cumsum3A_348 : vector<16xi32>
          %mul3A_353 = arith.constant 128 : i32
          %mul3A_354 = arith.muli %while3A_121, %mul3A_353 : i32
          %add3A_355 = arith.constant 112 : i32
          %add3A_356 = arith.addi %mul3A_354, %add3A_355 : i32
          %add3A_357 = vector.broadcast %add3A_356 : i32 to vector<16xi32>
          %add3A_358 = arith.addi %iota3A, %add3A_357 : vector<16xi32>
          %gt3A_359 = arith.constant 0 : i32
          %gt3A_360 = vector.broadcast %gt3A_359 : i32 to vector<16xi32>
          %gt3A_361 = arith.cmpi sgt, %get3A_345, %gt3A_360 : vector<16xi32>
          tpu.vector_store_idx %arg6[%add3A_352], %add3A_358 masked %gt3A_361 : memref<192xi32, #tpu.memory_space<vmem>>[vector<16xi32>], vector<16xi32>, vector<16xi1>
          %lt3A_362 = arith.constant 0 : i32
          %lt3A_363 = vector.broadcast %lt3A_362 : i32 to vector<16xi32>
          %lt3A_364 = arith.cmpi slt, %broadcast_in_dim3A_86, %lt3A_363 : vector<16xi32>
          %add3A_365 = arith.constant 16 : i32
          %add3A_366 = vector.broadcast %add3A_365 : i32 to vector<16xi32>
          %add3A_367 = arith.addi %broadcast_in_dim3A_86, %add3A_366 : vector<16xi32>
          %select_n3A_368 = arith.select %lt3A_364, %add3A_367, %broadcast_in_dim3A_86 : vector<16xi1>, vector<16xi32>
          %broadcast_in_dim3A_369 = vector.shape_cast %select_n3A_368 : vector<16xi32> to vector<16x1xi32>
          %gather3A_370 = vector.shape_cast %broadcast_in_dim3A_369 : vector<16x1xi32> to vector<16xi32>
          %gather3A_371 = tpu.dynamic_gather %masked_cumsum3A_348[%gather3A_370] in [0] : vector<16xi32>, vector<16xi32> -> vector<16xi32>
          %add3A_372 = arith.addi %add3A_341, %gather3A_371 : vector<16xi32>
          %add3A_373 = arith.constant 1 : i32
          %add3A_374 = arith.addi %while3A_121, %add3A_373 : i32
          %reduce_max3A = arith.constant true
          %reduce_max3A_375 = vector.broadcast %reduce_max3A : i1 to vector<16xi1>
          %reduce_max3A_376 = arith.constant -2147483648 : i32
          %reduce_max3A_377 = vector.broadcast %reduce_max3A_376 : i32 to vector<16xi32>
          %reduce_max3A_378 = arith.xori %add3A_372, %reduce_max3A_377 : vector<16xi32>
          %reduce_max3A_379 = tpu.scan <max>, %reduce_max3A_378 masked %reduce_max3A_375 : vector<16xi32>, vector<16xi1> -> vector<16xi32>
          %reduce_max3A_380 = arith.xori %reduce_max3A_379, %reduce_max3A_377 : vector<16xi32>
          %reduce_max3A_381 = vector.extract %reduce_max3A_380[15] : i32 from vector<16xi32>
          scf.yield %add3A_374, %reduce_max3A_381 : i32, i32
        }
        %broadcast_in_dim3A_89 = arith.constant 0 : i32
        %broadcast_in_dim3A_90 = vector.broadcast %broadcast_in_dim3A_89 : i32 to vector<16xi32>
        %gather3A = tpu.vector_load_idx %arg6[%broadcast_in_dim3A_90] : memref<192xi32, #tpu.memory_space<vmem>>[vector<16xi32>], vector<16xi32>,
        %mul3A_91 = arith.constant 8 : i32
        %mul3A_92 = arith.muli %add3A_38, %mul3A_91 : i32
        %add3A_93 = arith.addi %mul3A_92, %add3A_83 : i32
        %add3A_94 = arith.constant 0 : i32
        %add3A_95 = vector.broadcast %add3A_94 : i32 to vector<16xi32>
        %add3A_96 = arith.addi %iota3A, %add3A_95 : vector<16xi32>
        %get3A = arith.constant 0 : index
        %get3A_97 = tpu.vector_load %arg6[%get3A] {strides = array<i32>} : memref<192xi32, #tpu.memory_space<vmem>>, vector<16xi32>,
        %lt3A_98 = vector.broadcast %while3A_88#1 : i32 to vector<16xi32>
        %lt3A_99 = arith.cmpi slt, %add3A_96, %lt3A_98 : vector<16xi32>
        %select_n3A_100 = arith.select %lt3A_99, %get3A_97, %gather3A : vector<16xi1>, vector<16xi32>
        %add3A_101 = vector.broadcast %mul3A_20 : i32 to vector<16xi32>
        %add3A_102 = arith.addi %select_n3A_100, %add3A_101 : vector<16xi32>
        %mul3A_103 = arith.constant 32 : i32
        %mul3A_104 = arith.muli %add3A_93, %mul3A_103 : i32
        %add3A_105 = vector.broadcast %mul3A_104 : i32 to vector<16xi32>
        %add3A_106 = arith.addi %add3A_96, %add3A_105 : vector<16xi32>
        tpu.vector_store_idx %arg7[%add3A_106], %add3A_102 : memref<4096xi32, #tpu.memory_space<vmem>>[vector<16xi32>], vector<16xi32>,
        %add3A_107 = arith.constant 16 : i32
        %add3A_108 = vector.broadcast %add3A_107 : i32 to vector<16xi32>
        %add3A_109 = arith.addi %iota3A, %add3A_108 : vector<16xi32>
        %get3A_110 = arith.constant 16 : index
        %get3A_111 = tpu.vector_load %arg6[%get3A_110] {strides = array<i32>} : memref<192xi32, #tpu.memory_space<vmem>>, vector<16xi32>,
        %lt3A_112 = vector.broadcast %while3A_88#1 : i32 to vector<16xi32>
        %lt3A_113 = arith.cmpi slt, %add3A_109, %lt3A_112 : vector<16xi32>
        %select_n3A_114 = arith.select %lt3A_113, %get3A_111, %gather3A : vector<16xi1>, vector<16xi32>
        %add3A_115 = vector.broadcast %mul3A_20 : i32 to vector<16xi32>
        %add3A_116 = arith.addi %select_n3A_114, %add3A_115 : vector<16xi32>
        %mul3A_117 = arith.constant 32 : i32
        %mul3A_118 = arith.muli %add3A_93, %mul3A_117 : i32
        %add3A_119 = vector.broadcast %mul3A_118 : i32 to vector<16xi32>
        %add3A_120 = arith.addi %add3A_109, %add3A_119 : vector<16xi32>
        tpu.vector_store_idx %arg7[%add3A_120], %add3A_116 : memref<4096xi32, #tpu.memory_space<vmem>>[vector<16xi32>], vector<16xi32>,
      }
      %scan3A_58 = arith.constant 8 : i32
      %add3A_59 = arith.constant 2 : i32
      %add3A_60 = arith.addi %add3A_38, %add3A_59 : i32
      %lt3A = arith.constant 16 : i32
      %lt3A_61 = arith.cmpi slt, %add3A_60, %lt3A : i32
      %convert_element_type3A = arith.extui %lt3A_61 : i1 to i32
      %cond3A = arith.constant 0 : i32
      %cond3A_62 = arith.cmpi ne, %convert_element_type3A, %cond3A : i32
      scf.if %cond3A_62 {
        %add3A_79 = arith.constant 2 : i32
        %add3A_80 = arith.addi %add3A_38, %add3A_79 : i32
        %mul3A_81 = arith.constant 8 : i32
        %mul3A_82 = arith.muli %add3A_80, %mul3A_81 : i32
        %add3A_83 = arith.addi %mul3A_18, %mul3A_82 : i32
        %mul3A_84 = arith.constant 4096 : i32
        %mul3A_85 = arith.muli %add3A_83, %mul3A_84 : i32
        %dma_start3A_86 = tpu.memref_slice %arg2[%mul3A_85] : memref<16777216xi32, #tpu.memory_space<hbm>> -> memref<32768xi32, #tpu.memory_space<hbm>>
        %dma_start3A_87 = tpu.memref_slice %arg2[%mul3A_85] : memref<16777216xi32, #tpu.memory_space<hbm>> -> memref<32768xi32, #tpu.memory_space<hbm>>
        tpu.enqueue_dma source(%dma_start3A_87 : memref<32768xi32, #tpu.memory_space<hbm>>) target(%arg4 : memref<32768xi32, #tpu.memory_space<vmem>>) target_semaphore(%arg8 : memref<!tpu.dma_semaphore, #tpu.memory_space<semaphore_mem>>)
      } else {
      }
      %add3A_63 = arith.constant 1 : i32
      %add3A_64 = arith.addi %add3A_38, %add3A_63 : i32
      %mul3A_65 = arith.constant 8 : i32
      %mul3A_66 = arith.muli %add3A_64, %mul3A_65 : i32
      %add3A_67 = arith.addi %mul3A_18, %mul3A_66 : i32
      %mul3A_68 = arith.constant 4096 : i32
      %mul3A_69 = arith.muli %add3A_67, %mul3A_68 : i32
      %dma_wait3A_70 = tpu.memref_slice %arg2[%mul3A_69] : memref<16777216xi32, #tpu.memory_space<hbm>> -> memref<32768xi32, #tpu.memory_space<hbm>>
      %dma_wait3A_71 = tpu.memref_slice %arg2[%mul3A_69] : memref<16777216xi32, #tpu.memory_space<hbm>> -> memref<32768xi32, #tpu.memory_space<hbm>>
      tpu.wait_dma2 semaphore(%arg9 : memref<!tpu.dma_semaphore, #tpu.memory_space<semaphore_mem>>) src(%dma_wait3A_71 : memref<32768xi32, #tpu.memory_space<hbm>>) dst(%arg5 : memref<32768xi32, #tpu.memory_space<vmem>>)
      %add3A_72 = arith.constant 1 : i32
      %add3A_73 = arith.addi %add3A_38, %add3A_72 : i32
      %scan3A_74 = arith.constant 0 : i32
      %scan3A_75 = arith.constant 8 : i32
      %scan3A_76 = arith.addi %scan3A_74, %scan3A_75 : i32
      %scan3A_77 = arith.constant 1 : i32
      scf.for %scan3A_79 = %scan3A_74 to %scan3A_76 step %scan3A_77  : i32 {
        %mul3A_80 = arith.constant 1 : i32
        %mul3A_81 = arith.muli %scan3A_79, %mul3A_80 : i32
        %add3A_82 = arith.constant 0 : i32
        %add3A_83 = arith.addi %add3A_82, %mul3A_81 : i32
        %mul3A_84 = arith.constant 4096 : i32
        %mul3A_85 = arith.muli %add3A_83, %mul3A_84 : i32
        %broadcast_in_dim3A = arith.constant 15 : i32
        %broadcast_in_dim3A_86 = vector.broadcast %broadcast_in_dim3A : i32 to vector<16xi32>
        %while3A = arith.constant 0 : i32
        %while3A_87 = arith.constant 0 : i32
        %while3A_88:2 = scf.while (%while3A_121 = %while3A, %while3A_122 = %while3A_87) : (i32, i32) -> (i32, i32) {
          %lt3A_123 = arith.constant 32 : i32
          %lt3A_124 = arith.cmpi slt, %while3A_122, %lt3A_123 : i32
          %lt3A_125 = arith.constant 32 : i32
          %lt3A_126 = arith.cmpi slt, %while3A_121, %lt3A_125 : i32
          %and3A_127 = arith.andi %lt3A_124, %lt3A_126 : i1
          scf.condition(%and3A_127) %while3A_121, %while3A_122 : i32, i32
        } do {
        ^bb0(%while3A_121: i32, %while3A_122: i32):
          %broadcast_in_dim3A_123 = vector.broadcast %while3A_122 : i32 to vector<16xi32>
          %mul3A_124 = arith.constant 128 : i32
          %mul3A_125 = arith.muli %while3A_121, %mul3A_124 : i32
          %add3A_126 = arith.addi %mul3A_85, %mul3A_125 : i32
          %add3A_127 = arith.constant 0 : i32
          %add3A_128 = arith.addi %add3A_126, %add3A_127 : i32
          %get3A_129 = arith.index_cast %add3A_128 : i32 to index
          %get3A_130 = tpu.vector_load %arg5[%get3A_129] {strides = array<i32>} : memref<32768xi32, #tpu.memory_space<vmem>>, vector<16xi32>,
          %broadcast_in_dim3A_131 = arith.constant true
          %broadcast_in_dim3A_132 = vector.broadcast %broadcast_in_dim3A_131 : i1 to vector<16xi1>
          %masked_cumsum3A = tpu.scan <sum>, %get3A_130 masked %broadcast_in_dim3A_132 : vector<16xi32>, vector<16xi1> -> vector<16xi32>
          %sub3A_133 = arith.constant 1 : i32
          %sub3A_134 = vector.broadcast %sub3A_133 : i32 to vector<16xi32>
          %sub3A_135 = arith.subi %broadcast_in_dim3A_123, %sub3A_134 : vector<16xi32>
          %add3A_136 = arith.addi %sub3A_135, %masked_cumsum3A : vector<16xi32>
          %mul3A_137 = arith.constant 128 : i32
          %mul3A_138 = arith.muli %while3A_121, %mul3A_137 : i32
          %add3A_139 = arith.constant 0 : i32
          %add3A_140 = arith.addi %mul3A_138, %add3A_139 : i32
          %add3A_141 = vector.broadcast %add3A_140 : i32 to vector<16xi32>
          %add3A_142 = arith.addi %iota3A, %add3A_141 : vector<16xi32>
          %gt3A = arith.constant 0 : i32
          %gt3A_143 = vector.broadcast %gt3A : i32 to vector<16xi32>
          %gt3A_144 = arith.cmpi sgt, %get3A_130, %gt3A_143 : vector<16xi32>
          tpu.vector_store_idx %arg6[%add3A_136], %add3A_142 masked %gt3A_144 : memref<192xi32, #tpu.memory_space<vmem>>[vector<16xi32>], vector<16xi32>, vector<16xi1>
          %lt3A_145 = arith.constant 0 : i32
          %lt3A_146 = vector.broadcast %lt3A_145 : i32 to vector<16xi32>
          %lt3A_147 = arith.cmpi slt, %broadcast_in_dim3A_86, %lt3A_146 : vector<16xi32>
          %add3A_148 = arith.constant 16 : i32
          %add3A_149 = vector.broadcast %add3A_148 : i32 to vector<16xi32>
          %add3A_150 = arith.addi %broadcast_in_dim3A_86, %add3A_149 : vector<16xi32>
          %select_n3A_151 = arith.select %lt3A_147, %add3A_150, %broadcast_in_dim3A_86 : vector<16xi1>, vector<16xi32>
          %broadcast_in_dim3A_152 = vector.shape_cast %select_n3A_151 : vector<16xi32> to vector<16x1xi32>
          %gather3A_153 = vector.shape_cast %broadcast_in_dim3A_152 : vector<16x1xi32> to vector<16xi32>
          %gather3A_154 = tpu.dynamic_gather %masked_cumsum3A[%gather3A_153] in [0] : vector<16xi32>, vector<16xi32> -> vector<16xi32>
          %add3A_155 = arith.addi %broadcast_in_dim3A_123, %gather3A_154 : vector<16xi32>
          %add3A_156 = arith.constant 16 : i32
          %add3A_157 = arith.addi %add3A_126, %add3A_156 : i32
          %get3A_158 = arith.index_cast %add3A_157 : i32 to index
          %get3A_159 = tpu.vector_load %arg5[%get3A_158] {strides = array<i32>} : memref<32768xi32, #tpu.memory_space<vmem>>, vector<16xi32>,
          %broadcast_in_dim3A_160 = arith.constant true
          %broadcast_in_dim3A_161 = vector.broadcast %broadcast_in_dim3A_160 : i1 to vector<16xi1>
          %masked_cumsum3A_162 = tpu.scan <sum>, %get3A_159 masked %broadcast_in_dim3A_161 : vector<16xi32>, vector<16xi1> -> vector<16xi32>
          %sub3A_163 = arith.constant 1 : i32
          %sub3A_164 = vector.broadcast %sub3A_163 : i32 to vector<16xi32>
          %sub3A_165 = arith.subi %add3A_155, %sub3A_164 : vector<16xi32>
          %add3A_166 = arith.addi %sub3A_165, %masked_cumsum3A_162 : vector<16xi32>
          %mul3A_167 = arith.constant 128 : i32
          %mul3A_168 = arith.muli %while3A_121, %mul3A_167 : i32
          %add3A_169 = arith.constant 16 : i32
          %add3A_170 = arith.addi %mul3A_168, %add3A_169 : i32
          %add3A_171 = vector.broadcast %add3A_170 : i32 to vector<16xi32>
          %add3A_172 = arith.addi %iota3A, %add3A_171 : vector<16xi32>
          %gt3A_173 = arith.constant 0 : i32
          %gt3A_174 = vector.broadcast %gt3A_173 : i32 to vector<16xi32>
          %gt3A_175 = arith.cmpi sgt, %get3A_159, %gt3A_174 : vector<16xi32>
          tpu.vector_store_idx %arg6[%add3A_166], %add3A_172 masked %gt3A_175 : memref<192xi32, #tpu.memory_space<vmem>>[vector<16xi32>], vector<16xi32>, vector<16xi1>
          %lt3A_176 = arith.constant 0 : i32
          %lt3A_177 = vector.broadcast %lt3A_176 : i32 to vector<16xi32>
          %lt3A_178 = arith.cmpi slt, %broadcast_in_dim3A_86, %lt3A_177 : vector<16xi32>
          %add3A_179 = arith.constant 16 : i32
          %add3A_180 = vector.broadcast %add3A_179 : i32 to vector<16xi32>
          %add3A_181 = arith.addi %broadcast_in_dim3A_86, %add3A_180 : vector<16xi32>
          %select_n3A_182 = arith.select %lt3A_178, %add3A_181, %broadcast_in_dim3A_86 : vector<16xi1>, vector<16xi32>
          %broadcast_in_dim3A_183 = vector.shape_cast %select_n3A_182 : vector<16xi32> to vector<16x1xi32>
          %gather3A_184 = vector.shape_cast %broadcast_in_dim3A_183 : vector<16x1xi32> to vector<16xi32>
          %gather3A_185 = tpu.dynamic_gather %masked_cumsum3A_162[%gather3A_184] in [0] : vector<16xi32>, vector<16xi32> -> vector<16xi32>
          %add3A_186 = arith.addi %add3A_155, %gather3A_185 : vector<16xi32>
          %add3A_187 = arith.constant 32 : i32
          %add3A_188 = arith.addi %add3A_126, %add3A_187 : i32
          %get3A_189 = arith.index_cast %add3A_188 : i32 to index
          %get3A_190 = tpu.vector_load %arg5[%get3A_189] {strides = array<i32>} : memref<32768xi32, #tpu.memory_space<vmem>>, vector<16xi32>,
          %broadcast_in_dim3A_191 = arith.constant true
          %broadcast_in_dim3A_192 = vector.broadcast %broadcast_in_dim3A_191 : i1 to vector<16xi1>
          %masked_cumsum3A_193 = tpu.scan <sum>, %get3A_190 masked %broadcast_in_dim3A_192 : vector<16xi32>, vector<16xi1> -> vector<16xi32>
          %sub3A_194 = arith.constant 1 : i32
          %sub3A_195 = vector.broadcast %sub3A_194 : i32 to vector<16xi32>
          %sub3A_196 = arith.subi %add3A_186, %sub3A_195 : vector<16xi32>
          %add3A_197 = arith.addi %sub3A_196, %masked_cumsum3A_193 : vector<16xi32>
          %mul3A_198 = arith.constant 128 : i32
          %mul3A_199 = arith.muli %while3A_121, %mul3A_198 : i32
          %add3A_200 = arith.constant 32 : i32
          %add3A_201 = arith.addi %mul3A_199, %add3A_200 : i32
          %add3A_202 = vector.broadcast %add3A_201 : i32 to vector<16xi32>
          %add3A_203 = arith.addi %iota3A, %add3A_202 : vector<16xi32>
          %gt3A_204 = arith.constant 0 : i32
          %gt3A_205 = vector.broadcast %gt3A_204 : i32 to vector<16xi32>
          %gt3A_206 = arith.cmpi sgt, %get3A_190, %gt3A_205 : vector<16xi32>
          tpu.vector_store_idx %arg6[%add3A_197], %add3A_203 masked %gt3A_206 : memref<192xi32, #tpu.memory_space<vmem>>[vector<16xi32>], vector<16xi32>, vector<16xi1>
          %lt3A_207 = arith.constant 0 : i32
          %lt3A_208 = vector.broadcast %lt3A_207 : i32 to vector<16xi32>
          %lt3A_209 = arith.cmpi slt, %broadcast_in_dim3A_86, %lt3A_208 : vector<16xi32>
          %add3A_210 = arith.constant 16 : i32
          %add3A_211 = vector.broadcast %add3A_210 : i32 to vector<16xi32>
          %add3A_212 = arith.addi %broadcast_in_dim3A_86, %add3A_211 : vector<16xi32>
          %select_n3A_213 = arith.select %lt3A_209, %add3A_212, %broadcast_in_dim3A_86 : vector<16xi1>, vector<16xi32>
          %broadcast_in_dim3A_214 = vector.shape_cast %select_n3A_213 : vector<16xi32> to vector<16x1xi32>
          %gather3A_215 = vector.shape_cast %broadcast_in_dim3A_214 : vector<16x1xi32> to vector<16xi32>
          %gather3A_216 = tpu.dynamic_gather %masked_cumsum3A_193[%gather3A_215] in [0] : vector<16xi32>, vector<16xi32> -> vector<16xi32>
          %add3A_217 = arith.addi %add3A_186, %gather3A_216 : vector<16xi32>
          %add3A_218 = arith.constant 48 : i32
          %add3A_219 = arith.addi %add3A_126, %add3A_218 : i32
          %get3A_220 = arith.index_cast %add3A_219 : i32 to index
          %get3A_221 = tpu.vector_load %arg5[%get3A_220] {strides = array<i32>} : memref<32768xi32, #tpu.memory_space<vmem>>, vector<16xi32>,
          %broadcast_in_dim3A_222 = arith.constant true
          %broadcast_in_dim3A_223 = vector.broadcast %broadcast_in_dim3A_222 : i1 to vector<16xi1>
          %masked_cumsum3A_224 = tpu.scan <sum>, %get3A_221 masked %broadcast_in_dim3A_223 : vector<16xi32>, vector<16xi1> -> vector<16xi32>
          %sub3A_225 = arith.constant 1 : i32
          %sub3A_226 = vector.broadcast %sub3A_225 : i32 to vector<16xi32>
          %sub3A_227 = arith.subi %add3A_217, %sub3A_226 : vector<16xi32>
          %add3A_228 = arith.addi %sub3A_227, %masked_cumsum3A_224 : vector<16xi32>
          %mul3A_229 = arith.constant 128 : i32
          %mul3A_230 = arith.muli %while3A_121, %mul3A_229 : i32
          %add3A_231 = arith.constant 48 : i32
          %add3A_232 = arith.addi %mul3A_230, %add3A_231 : i32
          %add3A_233 = vector.broadcast %add3A_232 : i32 to vector<16xi32>
          %add3A_234 = arith.addi %iota3A, %add3A_233 : vector<16xi32>
          %gt3A_235 = arith.constant 0 : i32
          %gt3A_236 = vector.broadcast %gt3A_235 : i32 to vector<16xi32>
          %gt3A_237 = arith.cmpi sgt, %get3A_221, %gt3A_236 : vector<16xi32>
          tpu.vector_store_idx %arg6[%add3A_228], %add3A_234 masked %gt3A_237 : memref<192xi32, #tpu.memory_space<vmem>>[vector<16xi32>], vector<16xi32>, vector<16xi1>
          %lt3A_238 = arith.constant 0 : i32
          %lt3A_239 = vector.broadcast %lt3A_238 : i32 to vector<16xi32>
          %lt3A_240 = arith.cmpi slt, %broadcast_in_dim3A_86, %lt3A_239 : vector<16xi32>
          %add3A_241 = arith.constant 16 : i32
          %add3A_242 = vector.broadcast %add3A_241 : i32 to vector<16xi32>
          %add3A_243 = arith.addi %broadcast_in_dim3A_86, %add3A_242 : vector<16xi32>
          %select_n3A_244 = arith.select %lt3A_240, %add3A_243, %broadcast_in_dim3A_86 : vector<16xi1>, vector<16xi32>
          %broadcast_in_dim3A_245 = vector.shape_cast %select_n3A_244 : vector<16xi32> to vector<16x1xi32>
          %gather3A_246 = vector.shape_cast %broadcast_in_dim3A_245 : vector<16x1xi32> to vector<16xi32>
          %gather3A_247 = tpu.dynamic_gather %masked_cumsum3A_224[%gather3A_246] in [0] : vector<16xi32>, vector<16xi32> -> vector<16xi32>
          %add3A_248 = arith.addi %add3A_217, %gather3A_247 : vector<16xi32>
          %add3A_249 = arith.constant 64 : i32
          %add3A_250 = arith.addi %add3A_126, %add3A_249 : i32
          %get3A_251 = arith.index_cast %add3A_250 : i32 to index
          %get3A_252 = tpu.vector_load %arg5[%get3A_251] {strides = array<i32>} : memref<32768xi32, #tpu.memory_space<vmem>>, vector<16xi32>,
          %broadcast_in_dim3A_253 = arith.constant true
          %broadcast_in_dim3A_254 = vector.broadcast %broadcast_in_dim3A_253 : i1 to vector<16xi1>
          %masked_cumsum3A_255 = tpu.scan <sum>, %get3A_252 masked %broadcast_in_dim3A_254 : vector<16xi32>, vector<16xi1> -> vector<16xi32>
          %sub3A_256 = arith.constant 1 : i32
          %sub3A_257 = vector.broadcast %sub3A_256 : i32 to vector<16xi32>
          %sub3A_258 = arith.subi %add3A_248, %sub3A_257 : vector<16xi32>
          %add3A_259 = arith.addi %sub3A_258, %masked_cumsum3A_255 : vector<16xi32>
          %mul3A_260 = arith.constant 128 : i32
          %mul3A_261 = arith.muli %while3A_121, %mul3A_260 : i32
          %add3A_262 = arith.constant 64 : i32
          %add3A_263 = arith.addi %mul3A_261, %add3A_262 : i32
          %add3A_264 = vector.broadcast %add3A_263 : i32 to vector<16xi32>
          %add3A_265 = arith.addi %iota3A, %add3A_264 : vector<16xi32>
          %gt3A_266 = arith.constant 0 : i32
          %gt3A_267 = vector.broadcast %gt3A_266 : i32 to vector<16xi32>
          %gt3A_268 = arith.cmpi sgt, %get3A_252, %gt3A_267 : vector<16xi32>
          tpu.vector_store_idx %arg6[%add3A_259], %add3A_265 masked %gt3A_268 : memref<192xi32, #tpu.memory_space<vmem>>[vector<16xi32>], vector<16xi32>, vector<16xi1>
          %lt3A_269 = arith.constant 0 : i32
          %lt3A_270 = vector.broadcast %lt3A_269 : i32 to vector<16xi32>
          %lt3A_271 = arith.cmpi slt, %broadcast_in_dim3A_86, %lt3A_270 : vector<16xi32>
          %add3A_272 = arith.constant 16 : i32
          %add3A_273 = vector.broadcast %add3A_272 : i32 to vector<16xi32>
          %add3A_274 = arith.addi %broadcast_in_dim3A_86, %add3A_273 : vector<16xi32>
          %select_n3A_275 = arith.select %lt3A_271, %add3A_274, %broadcast_in_dim3A_86 : vector<16xi1>, vector<16xi32>
          %broadcast_in_dim3A_276 = vector.shape_cast %select_n3A_275 : vector<16xi32> to vector<16x1xi32>
          %gather3A_277 = vector.shape_cast %broadcast_in_dim3A_276 : vector<16x1xi32> to vector<16xi32>
          %gather3A_278 = tpu.dynamic_gather %masked_cumsum3A_255[%gather3A_277] in [0] : vector<16xi32>, vector<16xi32> -> vector<16xi32>
          %add3A_279 = arith.addi %add3A_248, %gather3A_278 : vector<16xi32>
          %add3A_280 = arith.constant 80 : i32
          %add3A_281 = arith.addi %add3A_126, %add3A_280 : i32
          %get3A_282 = arith.index_cast %add3A_281 : i32 to index
          %get3A_283 = tpu.vector_load %arg5[%get3A_282] {strides = array<i32>} : memref<32768xi32, #tpu.memory_space<vmem>>, vector<16xi32>,
          %broadcast_in_dim3A_284 = arith.constant true
          %broadcast_in_dim3A_285 = vector.broadcast %broadcast_in_dim3A_284 : i1 to vector<16xi1>
          %masked_cumsum3A_286 = tpu.scan <sum>, %get3A_283 masked %broadcast_in_dim3A_285 : vector<16xi32>, vector<16xi1> -> vector<16xi32>
          %sub3A_287 = arith.constant 1 : i32
          %sub3A_288 = vector.broadcast %sub3A_287 : i32 to vector<16xi32>
          %sub3A_289 = arith.subi %add3A_279, %sub3A_288 : vector<16xi32>
          %add3A_290 = arith.addi %sub3A_289, %masked_cumsum3A_286 : vector<16xi32>
          %mul3A_291 = arith.constant 128 : i32
          %mul3A_292 = arith.muli %while3A_121, %mul3A_291 : i32
          %add3A_293 = arith.constant 80 : i32
          %add3A_294 = arith.addi %mul3A_292, %add3A_293 : i32
          %add3A_295 = vector.broadcast %add3A_294 : i32 to vector<16xi32>
          %add3A_296 = arith.addi %iota3A, %add3A_295 : vector<16xi32>
          %gt3A_297 = arith.constant 0 : i32
          %gt3A_298 = vector.broadcast %gt3A_297 : i32 to vector<16xi32>
          %gt3A_299 = arith.cmpi sgt, %get3A_283, %gt3A_298 : vector<16xi32>
          tpu.vector_store_idx %arg6[%add3A_290], %add3A_296 masked %gt3A_299 : memref<192xi32, #tpu.memory_space<vmem>>[vector<16xi32>], vector<16xi32>, vector<16xi1>
          %lt3A_300 = arith.constant 0 : i32
          %lt3A_301 = vector.broadcast %lt3A_300 : i32 to vector<16xi32>
          %lt3A_302 = arith.cmpi slt, %broadcast_in_dim3A_86, %lt3A_301 : vector<16xi32>
          %add3A_303 = arith.constant 16 : i32
          %add3A_304 = vector.broadcast %add3A_303 : i32 to vector<16xi32>
          %add3A_305 = arith.addi %broadcast_in_dim3A_86, %add3A_304 : vector<16xi32>
          %select_n3A_306 = arith.select %lt3A_302, %add3A_305, %broadcast_in_dim3A_86 : vector<16xi1>, vector<16xi32>
          %broadcast_in_dim3A_307 = vector.shape_cast %select_n3A_306 : vector<16xi32> to vector<16x1xi32>
          %gather3A_308 = vector.shape_cast %broadcast_in_dim3A_307 : vector<16x1xi32> to vector<16xi32>
          %gather3A_309 = tpu.dynamic_gather %masked_cumsum3A_286[%gather3A_308] in [0] : vector<16xi32>, vector<16xi32> -> vector<16xi32>
          %add3A_310 = arith.addi %add3A_279, %gather3A_309 : vector<16xi32>
          %add3A_311 = arith.constant 96 : i32
          %add3A_312 = arith.addi %add3A_126, %add3A_311 : i32
          %get3A_313 = arith.index_cast %add3A_312 : i32 to index
          %get3A_314 = tpu.vector_load %arg5[%get3A_313] {strides = array<i32>} : memref<32768xi32, #tpu.memory_space<vmem>>, vector<16xi32>,
          %broadcast_in_dim3A_315 = arith.constant true
          %broadcast_in_dim3A_316 = vector.broadcast %broadcast_in_dim3A_315 : i1 to vector<16xi1>
          %masked_cumsum3A_317 = tpu.scan <sum>, %get3A_314 masked %broadcast_in_dim3A_316 : vector<16xi32>, vector<16xi1> -> vector<16xi32>
          %sub3A_318 = arith.constant 1 : i32
          %sub3A_319 = vector.broadcast %sub3A_318 : i32 to vector<16xi32>
          %sub3A_320 = arith.subi %add3A_310, %sub3A_319 : vector<16xi32>
          %add3A_321 = arith.addi %sub3A_320, %masked_cumsum3A_317 : vector<16xi32>
          %mul3A_322 = arith.constant 128 : i32
          %mul3A_323 = arith.muli %while3A_121, %mul3A_322 : i32
          %add3A_324 = arith.constant 96 : i32
          %add3A_325 = arith.addi %mul3A_323, %add3A_324 : i32
          %add3A_326 = vector.broadcast %add3A_325 : i32 to vector<16xi32>
          %add3A_327 = arith.addi %iota3A, %add3A_326 : vector<16xi32>
          %gt3A_328 = arith.constant 0 : i32
          %gt3A_329 = vector.broadcast %gt3A_328 : i32 to vector<16xi32>
          %gt3A_330 = arith.cmpi sgt, %get3A_314, %gt3A_329 : vector<16xi32>
          tpu.vector_store_idx %arg6[%add3A_321], %add3A_327 masked %gt3A_330 : memref<192xi32, #tpu.memory_space<vmem>>[vector<16xi32>], vector<16xi32>, vector<16xi1>
          %lt3A_331 = arith.constant 0 : i32
          %lt3A_332 = vector.broadcast %lt3A_331 : i32 to vector<16xi32>
          %lt3A_333 = arith.cmpi slt, %broadcast_in_dim3A_86, %lt3A_332 : vector<16xi32>
          %add3A_334 = arith.constant 16 : i32
          %add3A_335 = vector.broadcast %add3A_334 : i32 to vector<16xi32>
          %add3A_336 = arith.addi %broadcast_in_dim3A_86, %add3A_335 : vector<16xi32>
          %select_n3A_337 = arith.select %lt3A_333, %add3A_336, %broadcast_in_dim3A_86 : vector<16xi1>, vector<16xi32>
          %broadcast_in_dim3A_338 = vector.shape_cast %select_n3A_337 : vector<16xi32> to vector<16x1xi32>
          %gather3A_339 = vector.shape_cast %broadcast_in_dim3A_338 : vector<16x1xi32> to vector<16xi32>
          %gather3A_340 = tpu.dynamic_gather %masked_cumsum3A_317[%gather3A_339] in [0] : vector<16xi32>, vector<16xi32> -> vector<16xi32>
          %add3A_341 = arith.addi %add3A_310, %gather3A_340 : vector<16xi32>
          %add3A_342 = arith.constant 112 : i32
          %add3A_343 = arith.addi %add3A_126, %add3A_342 : i32
          %get3A_344 = arith.index_cast %add3A_343 : i32 to index
          %get3A_345 = tpu.vector_load %arg5[%get3A_344] {strides = array<i32>} : memref<32768xi32, #tpu.memory_space<vmem>>, vector<16xi32>,
          %broadcast_in_dim3A_346 = arith.constant true
          %broadcast_in_dim3A_347 = vector.broadcast %broadcast_in_dim3A_346 : i1 to vector<16xi1>
          %masked_cumsum3A_348 = tpu.scan <sum>, %get3A_345 masked %broadcast_in_dim3A_347 : vector<16xi32>, vector<16xi1> -> vector<16xi32>
          %sub3A_349 = arith.constant 1 : i32
          %sub3A_350 = vector.broadcast %sub3A_349 : i32 to vector<16xi32>
          %sub3A_351 = arith.subi %add3A_341, %sub3A_350 : vector<16xi32>
          %add3A_352 = arith.addi %sub3A_351, %masked_cumsum3A_348 : vector<16xi32>
          %mul3A_353 = arith.constant 128 : i32
          %mul3A_354 = arith.muli %while3A_121, %mul3A_353 : i32
          %add3A_355 = arith.constant 112 : i32
          %add3A_356 = arith.addi %mul3A_354, %add3A_355 : i32
          %add3A_357 = vector.broadcast %add3A_356 : i32 to vector<16xi32>
          %add3A_358 = arith.addi %iota3A, %add3A_357 : vector<16xi32>
          %gt3A_359 = arith.constant 0 : i32
          %gt3A_360 = vector.broadcast %gt3A_359 : i32 to vector<16xi32>
          %gt3A_361 = arith.cmpi sgt, %get3A_345, %gt3A_360 : vector<16xi32>
          tpu.vector_store_idx %arg6[%add3A_352], %add3A_358 masked %gt3A_361 : memref<192xi32, #tpu.memory_space<vmem>>[vector<16xi32>], vector<16xi32>, vector<16xi1>
          %lt3A_362 = arith.constant 0 : i32
          %lt3A_363 = vector.broadcast %lt3A_362 : i32 to vector<16xi32>
          %lt3A_364 = arith.cmpi slt, %broadcast_in_dim3A_86, %lt3A_363 : vector<16xi32>
          %add3A_365 = arith.constant 16 : i32
          %add3A_366 = vector.broadcast %add3A_365 : i32 to vector<16xi32>
          %add3A_367 = arith.addi %broadcast_in_dim3A_86, %add3A_366 : vector<16xi32>
          %select_n3A_368 = arith.select %lt3A_364, %add3A_367, %broadcast_in_dim3A_86 : vector<16xi1>, vector<16xi32>
          %broadcast_in_dim3A_369 = vector.shape_cast %select_n3A_368 : vector<16xi32> to vector<16x1xi32>
          %gather3A_370 = vector.shape_cast %broadcast_in_dim3A_369 : vector<16x1xi32> to vector<16xi32>
          %gather3A_371 = tpu.dynamic_gather %masked_cumsum3A_348[%gather3A_370] in [0] : vector<16xi32>, vector<16xi32> -> vector<16xi32>
          %add3A_372 = arith.addi %add3A_341, %gather3A_371 : vector<16xi32>
          %add3A_373 = arith.constant 1 : i32
          %add3A_374 = arith.addi %while3A_121, %add3A_373 : i32
          %reduce_max3A = arith.constant true
          %reduce_max3A_375 = vector.broadcast %reduce_max3A : i1 to vector<16xi1>
          %reduce_max3A_376 = arith.constant -2147483648 : i32
          %reduce_max3A_377 = vector.broadcast %reduce_max3A_376 : i32 to vector<16xi32>
          %reduce_max3A_378 = arith.xori %add3A_372, %reduce_max3A_377 : vector<16xi32>
          %reduce_max3A_379 = tpu.scan <max>, %reduce_max3A_378 masked %reduce_max3A_375 : vector<16xi32>, vector<16xi1> -> vector<16xi32>
          %reduce_max3A_380 = arith.xori %reduce_max3A_379, %reduce_max3A_377 : vector<16xi32>
          %reduce_max3A_381 = vector.extract %reduce_max3A_380[15] : i32 from vector<16xi32>
          scf.yield %add3A_374, %reduce_max3A_381 : i32, i32
        }
        %broadcast_in_dim3A_89 = arith.constant 0 : i32
        %broadcast_in_dim3A_90 = vector.broadcast %broadcast_in_dim3A_89 : i32 to vector<16xi32>
        %gather3A = tpu.vector_load_idx %arg6[%broadcast_in_dim3A_90] : memref<192xi32, #tpu.memory_space<vmem>>[vector<16xi32>], vector<16xi32>,
        %mul3A_91 = arith.constant 8 : i32
        %mul3A_92 = arith.muli %add3A_73, %mul3A_91 : i32
        %add3A_93 = arith.addi %mul3A_92, %add3A_83 : i32
        %add3A_94 = arith.constant 0 : i32
        %add3A_95 = vector.broadcast %add3A_94 : i32 to vector<16xi32>
        %add3A_96 = arith.addi %iota3A, %add3A_95 : vector<16xi32>
        %get3A = arith.constant 0 : index
        %get3A_97 = tpu.vector_load %arg6[%get3A] {strides = array<i32>} : memref<192xi32, #tpu.memory_space<vmem>>, vector<16xi32>,
        %lt3A_98 = vector.broadcast %while3A_88#1 : i32 to vector<16xi32>
        %lt3A_99 = arith.cmpi slt, %add3A_96, %lt3A_98 : vector<16xi32>
        %select_n3A_100 = arith.select %lt3A_99, %get3A_97, %gather3A : vector<16xi1>, vector<16xi32>
        %add3A_101 = vector.broadcast %mul3A_20 : i32 to vector<16xi32>
        %add3A_102 = arith.addi %select_n3A_100, %add3A_101 : vector<16xi32>
        %mul3A_103 = arith.constant 32 : i32
        %mul3A_104 = arith.muli %add3A_93, %mul3A_103 : i32
        %add3A_105 = vector.broadcast %mul3A_104 : i32 to vector<16xi32>
        %add3A_106 = arith.addi %add3A_96, %add3A_105 : vector<16xi32>
        tpu.vector_store_idx %arg7[%add3A_106], %add3A_102 : memref<4096xi32, #tpu.memory_space<vmem>>[vector<16xi32>], vector<16xi32>,
        %add3A_107 = arith.constant 16 : i32
        %add3A_108 = vector.broadcast %add3A_107 : i32 to vector<16xi32>
        %add3A_109 = arith.addi %iota3A, %add3A_108 : vector<16xi32>
        %get3A_110 = arith.constant 16 : index
        %get3A_111 = tpu.vector_load %arg6[%get3A_110] {strides = array<i32>} : memref<192xi32, #tpu.memory_space<vmem>>, vector<16xi32>,
        %lt3A_112 = vector.broadcast %while3A_88#1 : i32 to vector<16xi32>
        %lt3A_113 = arith.cmpi slt, %add3A_109, %lt3A_112 : vector<16xi32>
        %select_n3A_114 = arith.select %lt3A_113, %get3A_111, %gather3A : vector<16xi1>, vector<16xi32>
        %add3A_115 = vector.broadcast %mul3A_20 : i32 to vector<16xi32>
        %add3A_116 = arith.addi %select_n3A_114, %add3A_115 : vector<16xi32>
        %mul3A_117 = arith.constant 32 : i32
        %mul3A_118 = arith.muli %add3A_93, %mul3A_117 : i32
        %add3A_119 = vector.broadcast %mul3A_118 : i32 to vector<16xi32>
        %add3A_120 = arith.addi %add3A_109, %add3A_119 : vector<16xi32>
        tpu.vector_store_idx %arg7[%add3A_120], %add3A_116 : memref<4096xi32, #tpu.memory_space<vmem>>[vector<16xi32>], vector<16xi32>,
      }
      %scan3A_78 = arith.constant 8 : i32
    }
    %scan3A_29 = arith.constant 8 : i32
    %mul3A_30 = arith.constant 128 : i32
    %mul3A_31 = arith.muli %add3A, %mul3A_30 : i32
    %mul3A_32 = arith.constant 32 : i32
    %mul3A_33 = arith.muli %mul3A_31, %mul3A_32 : i32
    "tpu.region"() ({
      %run_scoped3A = tpu.sem_alloc : memref<!tpu.dma_semaphore, #tpu.memory_space<semaphore_mem>>
      %dma_start3A_34 = tpu.memref_slice %arg3[%mul3A_33] : memref<131072xi32, #tpu.memory_space<hbm>> -> memref<4096xi32, #tpu.memory_space<hbm>>
      %dma_start3A_35 = tpu.memref_slice %arg3[%mul3A_33] : memref<131072xi32, #tpu.memory_space<hbm>> -> memref<4096xi32, #tpu.memory_space<hbm>>
      tpu.enqueue_dma source(%arg7 : memref<4096xi32, #tpu.memory_space<vmem>>) target(%dma_start3A_35 : memref<4096xi32, #tpu.memory_space<hbm>>) target_semaphore(%run_scoped3A : memref<!tpu.dma_semaphore, #tpu.memory_space<semaphore_mem>>)
      %dma_wait3A = tpu.memref_slice %arg3[%mul3A_33] : memref<131072xi32, #tpu.memory_space<hbm>> -> memref<4096xi32, #tpu.memory_space<hbm>>
      %dma_wait3A_36 = tpu.memref_slice %arg3[%mul3A_33] : memref<131072xi32, #tpu.memory_space<hbm>> -> memref<4096xi32, #tpu.memory_space<hbm>>
      tpu.wait_dma2 semaphore(%run_scoped3A : memref<!tpu.dma_semaphore, #tpu.memory_space<semaphore_mem>>) src(%arg7 : memref<4096xi32, #tpu.memory_space<vmem>>) dst(%dma_wait3A_36 : memref<4096xi32, #tpu.memory_space<hbm>>)
      tpu.yield
    }) : () -> ()
    return
  }
}

#map = affine_map<(d0, d1) -> (0, 0)>
#map1 = affine_map<(d0, d1) -> (0)>
module attributes {stable_mosaic.version = 14 : i64} {
  func.func @k(%arg0: i32, %arg1: i32, %arg2: memref<32768x64xf32, #tpu.memory_space<hbm>>, %arg3: memref<131072xi32, #tpu.memory_space<hbm>>, %arg4: memref<131072x64xf32, #tpu.memory_space<hbm>>, %arg5: memref<4096xi32, #tpu.memory_space<vmem>>, %arg6: memref<128x64xf32, #tpu.memory_space<vmem>>, %arg7: memref<128x64xf32, #tpu.memory_space<vmem>>, %arg8: memref<!tpu.dma_semaphore, #tpu.memory_space<semaphore_mem>>, %arg9: memref<!tpu.dma_semaphore, #tpu.memory_space<semaphore_mem>>) attributes {dimension_semantics = [#tpu.dimension_semantics<core_parallel>, #tpu.dimension_semantics<subcore_parallel>], iteration_bounds = array<i64: 2, 16>, scalar_prefetch = 0 : i64, scratch_operands = 5 : i64, tpu.core_type = #tpu.core_type<sc_vector_subcore>, window_params = [{transform_indices = #map}, {transform_indices = #map1}, {transform_indices = #map}]} {
    %mul3A = arith.constant 2 : i32
    %mul3A_0 = arith.muli %arg1, %mul3A : i32
    %add3A = arith.addi %mul3A_0, %arg0 : i32
    %mul3A_1 = arith.constant 4096 : i32
    %mul3A_2 = arith.muli %add3A, %mul3A_1 : i32
    "tpu.region"() ({
      %run_scoped3A = tpu.sem_alloc : memref<!tpu.dma_semaphore, #tpu.memory_space<semaphore_mem>>
      %dma_start3A = tpu.memref_slice %arg3[%mul3A_2] : memref<131072xi32, #tpu.memory_space<hbm>> -> memref<4096xi32, #tpu.memory_space<hbm>>
      %dma_start3A_7 = tpu.memref_slice %arg3[%mul3A_2] : memref<131072xi32, #tpu.memory_space<hbm>> -> memref<4096xi32, #tpu.memory_space<hbm>>
      tpu.enqueue_dma source(%dma_start3A_7 : memref<4096xi32, #tpu.memory_space<hbm>>) target(%arg5 : memref<4096xi32, #tpu.memory_space<vmem>>) target_semaphore(%run_scoped3A : memref<!tpu.dma_semaphore, #tpu.memory_space<semaphore_mem>>)
      %dma_wait3A = tpu.memref_slice %arg3[%mul3A_2] : memref<131072xi32, #tpu.memory_space<hbm>> -> memref<4096xi32, #tpu.memory_space<hbm>>
      %dma_wait3A_8 = tpu.memref_slice %arg3[%mul3A_2] : memref<131072xi32, #tpu.memory_space<hbm>> -> memref<4096xi32, #tpu.memory_space<hbm>>
      tpu.wait_dma2 semaphore(%run_scoped3A : memref<!tpu.dma_semaphore, #tpu.memory_space<semaphore_mem>>) src(%dma_wait3A_8 : memref<4096xi32, #tpu.memory_space<hbm>>) dst(%arg5 : memref<4096xi32, #tpu.memory_space<vmem>>)
      tpu.yield
    }) : () -> ()
    %scan3A = arith.constant 0 : i32
    %scan3A_3 = arith.constant 16 : i32
    %scan3A_4 = arith.addi %scan3A, %scan3A_3 : i32
    %scan3A_5 = arith.constant 1 : i32
    scf.for %scan3A_7 = %scan3A to %scan3A_4 step %scan3A_5  : i32 {
      %mul3A_8 = arith.constant 2 : i32
      %mul3A_9 = arith.muli %scan3A_7, %mul3A_8 : i32
      %add3A_10 = arith.constant 0 : i32
      %add3A_11 = arith.addi %add3A_10, %mul3A_9 : i32
      %mul3A_12 = arith.constant 128 : i32
      %mul3A_13 = arith.muli %add3A_11, %mul3A_12 : i32
      %dma_start3A = tpu.memref_slice %arg5[%mul3A_13] : memref<4096xi32, #tpu.memory_space<vmem>> -> memref<128xi32, #tpu.memory_space<vmem>>
      %dma_start3A_14 = arith.constant 0 : i32
      %dma_start3A_15 = arith.constant 0 : i32
      %dma_start3A_16 = tpu.memref_slice %arg2[%dma_start3A_14, %dma_start3A_15] : memref<32768x64xf32, #tpu.memory_space<hbm>> -> memref<32768x64xf32, #tpu.memory_space<hbm>>
      tpu.enqueue_indirect_dma source(%dma_start3A_16 : memref<32768x64xf32, #tpu.memory_space<hbm>>) target(%arg6 : memref<128x64xf32, #tpu.memory_space<vmem>>) offsets(%dma_start3A : memref<128xi32, #tpu.memory_space<vmem>>) semaphore(%arg8 : memref<!tpu.dma_semaphore, #tpu.memory_space<semaphore_mem>>)
      %add3A_17 = arith.constant 1 : i32
      %add3A_18 = arith.addi %add3A_11, %add3A_17 : i32
      %mul3A_19 = arith.constant 128 : i32
      %mul3A_20 = arith.muli %add3A_18, %mul3A_19 : i32
      %dma_start3A_21 = tpu.memref_slice %arg5[%mul3A_20] : memref<4096xi32, #tpu.memory_space<vmem>> -> memref<128xi32, #tpu.memory_space<vmem>>
      %dma_start3A_22 = arith.constant 0 : i32
      %dma_start3A_23 = arith.constant 0 : i32
      %dma_start3A_24 = tpu.memref_slice %arg2[%dma_start3A_22, %dma_start3A_23] : memref<32768x64xf32, #tpu.memory_space<hbm>> -> memref<32768x64xf32, #tpu.memory_space<hbm>>
      tpu.enqueue_indirect_dma source(%dma_start3A_24 : memref<32768x64xf32, #tpu.memory_space<hbm>>) target(%arg7 : memref<128x64xf32, #tpu.memory_space<vmem>>) offsets(%dma_start3A_21 : memref<128xi32, #tpu.memory_space<vmem>>) semaphore(%arg9 : memref<!tpu.dma_semaphore, #tpu.memory_space<semaphore_mem>>)
      %dma_wait3A = tpu.memref_slice %arg5[%mul3A_13] : memref<4096xi32, #tpu.memory_space<vmem>> -> memref<128xi32, #tpu.memory_space<vmem>>
      %dma_wait3A_25 = arith.constant 0 : i32
      %dma_wait3A_26 = arith.constant 0 : i32
      %dma_wait3A_27 = tpu.memref_slice %arg2[%dma_wait3A_25, %dma_wait3A_26] : memref<32768x64xf32, #tpu.memory_space<hbm>> -> memref<32768x64xf32, #tpu.memory_space<hbm>>
      tpu.wait_indirect_dma semaphore(%arg8 : memref<!tpu.dma_semaphore, #tpu.memory_space<semaphore_mem>>) src(%dma_wait3A_27 : memref<32768x64xf32, #tpu.memory_space<hbm>>) dst(%arg6 : memref<128x64xf32, #tpu.memory_space<vmem>>)
      %mul3A_28 = arith.constant 128 : i32
      %mul3A_29 = arith.muli %add3A_11, %mul3A_28 : i32
      %add3A_30 = arith.addi %mul3A_2, %mul3A_29 : i32
      "tpu.region"() ({
        %run_scoped3A = tpu.sem_alloc : memref<!tpu.dma_semaphore, #tpu.memory_space<semaphore_mem>>
        %dma_start3A_40 = arith.constant 0 : i32
        %dma_start3A_41 = tpu.memref_slice %arg4[%add3A_30, %dma_start3A_40] : memref<131072x64xf32, #tpu.memory_space<hbm>> -> memref<128x64xf32, #tpu.memory_space<hbm>>
        %dma_start3A_42 = arith.constant 0 : i32
        %dma_start3A_43 = tpu.memref_slice %arg4[%add3A_30, %dma_start3A_42] : memref<131072x64xf32, #tpu.memory_space<hbm>> -> memref<128x64xf32, #tpu.memory_space<hbm>>
        tpu.enqueue_dma source(%arg6 : memref<128x64xf32, #tpu.memory_space<vmem>>) target(%dma_start3A_43 : memref<128x64xf32, #tpu.memory_space<hbm>>) target_semaphore(%run_scoped3A : memref<!tpu.dma_semaphore, #tpu.memory_space<semaphore_mem>>)
        %dma_wait3A_44 = arith.constant 0 : i32
        %dma_wait3A_45 = tpu.memref_slice %arg4[%add3A_30, %dma_wait3A_44] : memref<131072x64xf32, #tpu.memory_space<hbm>> -> memref<128x64xf32, #tpu.memory_space<hbm>>
        %dma_wait3A_46 = arith.constant 0 : i32
        %dma_wait3A_47 = tpu.memref_slice %arg4[%add3A_30, %dma_wait3A_46] : memref<131072x64xf32, #tpu.memory_space<hbm>> -> memref<128x64xf32, #tpu.memory_space<hbm>>
        tpu.wait_dma2 semaphore(%run_scoped3A : memref<!tpu.dma_semaphore, #tpu.memory_space<semaphore_mem>>) src(%arg6 : memref<128x64xf32, #tpu.memory_space<vmem>>) dst(%dma_wait3A_47 : memref<128x64xf32, #tpu.memory_space<hbm>>)
        tpu.yield
      }) : () -> ()
      %dma_wait3A_31 = tpu.memref_slice %arg5[%mul3A_20] : memref<4096xi32, #tpu.memory_space<vmem>> -> memref<128xi32, #tpu.memory_space<vmem>>
      %dma_wait3A_32 = arith.constant 0 : i32
      %dma_wait3A_33 = arith.constant 0 : i32
      %dma_wait3A_34 = tpu.memref_slice %arg2[%dma_wait3A_32, %dma_wait3A_33] : memref<32768x64xf32, #tpu.memory_space<hbm>> -> memref<32768x64xf32, #tpu.memory_space<hbm>>
      tpu.wait_indirect_dma semaphore(%arg9 : memref<!tpu.dma_semaphore, #tpu.memory_space<semaphore_mem>>) src(%dma_wait3A_34 : memref<32768x64xf32, #tpu.memory_space<hbm>>) dst(%arg7 : memref<128x64xf32, #tpu.memory_space<vmem>>)
      %add3A_35 = arith.constant 1 : i32
      %add3A_36 = arith.addi %add3A_11, %add3A_35 : i32
      %mul3A_37 = arith.constant 128 : i32
      %mul3A_38 = arith.muli %add3A_36, %mul3A_37 : i32
      %add3A_39 = arith.addi %mul3A_2, %mul3A_38 : i32
      "tpu.region"() ({
        %run_scoped3A = tpu.sem_alloc : memref<!tpu.dma_semaphore, #tpu.memory_space<semaphore_mem>>
        %dma_start3A_40 = arith.constant 0 : i32
        %dma_start3A_41 = tpu.memref_slice %arg4[%add3A_39, %dma_start3A_40] : memref<131072x64xf32, #tpu.memory_space<hbm>> -> memref<128x64xf32, #tpu.memory_space<hbm>>
        %dma_start3A_42 = arith.constant 0 : i32
        %dma_start3A_43 = tpu.memref_slice %arg4[%add3A_39, %dma_start3A_42] : memref<131072x64xf32, #tpu.memory_space<hbm>> -> memref<128x64xf32, #tpu.memory_space<hbm>>
        tpu.enqueue_dma source(%arg7 : memref<128x64xf32, #tpu.memory_space<vmem>>) target(%dma_start3A_43 : memref<128x64xf32, #tpu.memory_space<hbm>>) target_semaphore(%run_scoped3A : memref<!tpu.dma_semaphore, #tpu.memory_space<semaphore_mem>>)
        %dma_wait3A_44 = arith.constant 0 : i32
        %dma_wait3A_45 = tpu.memref_slice %arg4[%add3A_39, %dma_wait3A_44] : memref<131072x64xf32, #tpu.memory_space<hbm>> -> memref<128x64xf32, #tpu.memory_space<hbm>>
        %dma_wait3A_46 = arith.constant 0 : i32
        %dma_wait3A_47 = tpu.memref_slice %arg4[%add3A_39, %dma_wait3A_46] : memref<131072x64xf32, #tpu.memory_space<hbm>> -> memref<128x64xf32, #tpu.memory_space<hbm>>
        tpu.wait_dma2 semaphore(%run_scoped3A : memref<!tpu.dma_semaphore, #tpu.memory_space<semaphore_mem>>) src(%arg7 : memref<128x64xf32, #tpu.memory_space<vmem>>) dst(%dma_wait3A_47 : memref<128x64xf32, #tpu.memory_space<hbm>>)
        tpu.yield
      }) : () -> ()
    }
    %scan3A_6 = arith.constant 16 : i32
    return
  }
}

module attributes {stable_mosaic.version = 14 : i64} {
  func.func @_fps_body(%arg0: memref<3x8x4096xf32, #tpu.memory_space<vmem>>, %arg1: memref<512x8xf32, #tpu.memory_space<vmem>>, %arg2: memref<512x8xf32, #tpu.memory_space<vmem>>, %arg3: memref<512x8xf32, #tpu.memory_space<vmem>>, %arg4: memref<8x4096xf32, #tpu.memory_space<vmem>>) attributes {dimension_semantics = [], scalar_prefetch = 0 : i64, scratch_operands = 1 : i64, tpu.core_type = #tpu.core_type<tc>} {
    %get3A = arith.constant 0 : index
    %get3A_0 = arith.constant 0 : index
    %get3A_1 = arith.constant 0 : index
    %get3A_2 = vector.load %arg0[%get3A, %get3A_0, %get3A_1] : memref<3x8x4096xf32, #tpu.memory_space<vmem>>, vector<1x8x4096xf32>
    %get3A_3 = vector.shape_cast %get3A_2 : vector<1x8x4096xf32> to vector<8x4096xf32>
    %get3A_4 = arith.constant 1 : index
    %get3A_5 = arith.constant 0 : index
    %get3A_6 = arith.constant 0 : index
    %get3A_7 = vector.load %arg0[%get3A_4, %get3A_5, %get3A_6] : memref<3x8x4096xf32, #tpu.memory_space<vmem>>, vector<1x8x4096xf32>
    %get3A_8 = vector.shape_cast %get3A_7 : vector<1x8x4096xf32> to vector<8x4096xf32>
    %get3A_9 = arith.constant 2 : index
    %get3A_10 = arith.constant 0 : index
    %get3A_11 = arith.constant 0 : index
    %get3A_12 = vector.load %arg0[%get3A_9, %get3A_10, %get3A_11] : memref<3x8x4096xf32, #tpu.memory_space<vmem>>, vector<1x8x4096xf32>
    %get3A_13 = vector.shape_cast %get3A_12 : vector<1x8x4096xf32> to vector<8x4096xf32>
    %iota3A = tpu.iota {dimensions = array<i32: 1>} : vector<8x4096xi32>
    %broadcast_in_dim3A = arith.constant 0 : i32
    %broadcast_in_dim3A_14 = vector.broadcast %broadcast_in_dim3A : i32 to vector<8x1xi32>
    %broadcast_in_dim3A_15 = arith.constant 1.000000e+10 : f32
    %broadcast_in_dim3A_16 = vector.broadcast %broadcast_in_dim3A_15 : f32 to vector<8x4096xf32>
    %scan3A = arith.constant 0 : i32
    %scan3A_17 = arith.constant 512 : i32
    %scan3A_18 = arith.addi %scan3A, %scan3A_17 : i32
    %scan3A_19 = arith.constant 1 : i32
    %scan3A_20:2 = scf.for %scan3A_22 = %scan3A to %scan3A_18 step %scan3A_19 iter_args(%scan3A_23 = %broadcast_in_dim3A_14, %scan3A_24 = %broadcast_in_dim3A_16) -> (vector<8x1xi32>, vector<8x4096xf32>)  : i32 {
      %eq3A = vector.broadcast %scan3A_23 : vector<8x1xi32> to vector<8x4096xi32>
      %eq3A_25 = arith.cmpi eq, %iota3A, %eq3A : vector<8x4096xi32>
      %jit3A = arith.constant 0.000000e+00 : f32
      %broadcast_in_dim3A_26 = vector.broadcast %jit3A : f32 to vector<8x4096xf32>
      %select_n3A = arith.select %eq3A_25, %get3A_3, %broadcast_in_dim3A_26 : vector<8x4096xi1>, vector<8x4096xf32>
      %reduce_sum3A = arith.constant dense<0.000000e+00> : vector<8xf32>
      %reduce_sum3A_27 = vector.multi_reduction <add>, %select_n3A, %reduce_sum3A [1] : vector<8x4096xf32> to vector<8xf32>
      %broadcast_in_dim3A_28 = vector.shape_cast %reduce_sum3A_27 : vector<8xf32> to vector<8x1xf32>
      %jit3A_29 = arith.constant 0.000000e+00 : f32
      %broadcast_in_dim3A_30 = vector.broadcast %jit3A_29 : f32 to vector<8x4096xf32>
      %select_n3A_31 = arith.select %eq3A_25, %get3A_8, %broadcast_in_dim3A_30 : vector<8x4096xi1>, vector<8x4096xf32>
      %reduce_sum3A_32 = arith.constant dense<0.000000e+00> : vector<8xf32>
      %reduce_sum3A_33 = vector.multi_reduction <add>, %select_n3A_31, %reduce_sum3A_32 [1] : vector<8x4096xf32> to vector<8xf32>
      %broadcast_in_dim3A_34 = vector.shape_cast %reduce_sum3A_33 : vector<8xf32> to vector<8x1xf32>
      %jit3A_35 = arith.constant 0.000000e+00 : f32
      %broadcast_in_dim3A_36 = vector.broadcast %jit3A_35 : f32 to vector<8x4096xf32>
      %select_n3A_37 = arith.select %eq3A_25, %get3A_13, %broadcast_in_dim3A_36 : vector<8x4096xi1>, vector<8x4096xf32>
      %reduce_sum3A_38 = arith.constant dense<0.000000e+00> : vector<8xf32>
      %reduce_sum3A_39 = vector.multi_reduction <add>, %select_n3A_37, %reduce_sum3A_38 [1] : vector<8x4096xf32> to vector<8xf32>
      %broadcast_in_dim3A_40 = vector.shape_cast %reduce_sum3A_39 : vector<8xf32> to vector<8x1xf32>
      %reshape3A = vector.shape_cast %broadcast_in_dim3A_28 : vector<8x1xf32> to vector<1x8xf32>
      %swap3A = arith.index_cast %scan3A_22 : i32 to index
      %swap3A_41 = arith.constant 0 : index
      %swap3A_42 = vector.load %arg1[%swap3A, %swap3A_41] : memref<512x8xf32, #tpu.memory_space<vmem>>, vector<1x8xf32>
      tpu.vector_store %arg1[%swap3A, %swap3A_41], %reshape3A {strides = array<i32>} : memref<512x8xf32, #tpu.memory_space<vmem>>, vector<1x8xf32>,
      %reshape3A_43 = vector.shape_cast %broadcast_in_dim3A_34 : vector<8x1xf32> to vector<1x8xf32>
      %swap3A_44 = arith.index_cast %scan3A_22 : i32 to index
      %swap3A_45 = arith.constant 0 : index
      %swap3A_46 = vector.load %arg2[%swap3A_44, %swap3A_45] : memref<512x8xf32, #tpu.memory_space<vmem>>, vector<1x8xf32>
      tpu.vector_store %arg2[%swap3A_44, %swap3A_45], %reshape3A_43 {strides = array<i32>} : memref<512x8xf32, #tpu.memory_space<vmem>>, vector<1x8xf32>,
      %reshape3A_47 = vector.shape_cast %broadcast_in_dim3A_40 : vector<8x1xf32> to vector<1x8xf32>
      %swap3A_48 = arith.index_cast %scan3A_22 : i32 to index
      %swap3A_49 = arith.constant 0 : index
      %swap3A_50 = vector.load %arg3[%swap3A_48, %swap3A_49] : memref<512x8xf32, #tpu.memory_space<vmem>>, vector<1x8xf32>
      tpu.vector_store %arg3[%swap3A_48, %swap3A_49], %reshape3A_47 {strides = array<i32>} : memref<512x8xf32, #tpu.memory_space<vmem>>, vector<1x8xf32>,
      %sub3A = vector.broadcast %broadcast_in_dim3A_28 : vector<8x1xf32> to vector<8x4096xf32>
      %sub3A_51 = arith.subf %get3A_3, %sub3A : vector<8x4096xf32>
      %sub3A_52 = vector.broadcast %broadcast_in_dim3A_34 : vector<8x1xf32> to vector<8x4096xf32>
      %sub3A_53 = arith.subf %get3A_8, %sub3A_52 : vector<8x4096xf32>
      %sub3A_54 = vector.broadcast %broadcast_in_dim3A_40 : vector<8x1xf32> to vector<8x4096xf32>
      %sub3A_55 = arith.subf %get3A_13, %sub3A_54 : vector<8x4096xf32>
      %mul3A = arith.mulf %sub3A_51, %sub3A_51 : vector<8x4096xf32>
      %mul3A_56 = arith.mulf %sub3A_55, %sub3A_55 : vector<8x4096xf32>
      %add3A = arith.addf %mul3A, %mul3A_56 : vector<8x4096xf32>
      %mul3A_57 = arith.mulf %sub3A_53, %sub3A_53 : vector<8x4096xf32>
      %add3A_58 = arith.addf %add3A, %mul3A_57 : vector<8x4096xf32>
      %min3A = arith.minimumf %scan3A_24, %add3A_58 : vector<8x4096xf32>
      %reduce_max3A = arith.constant dense<0xFF800000> : vector<8xf32>
      %reduce_max3A_59 = vector.multi_reduction <maximumf>, %min3A, %reduce_max3A [1] : vector<8x4096xf32> to vector<8xf32>
      %broadcast_in_dim3A_60 = vector.shape_cast %reduce_max3A_59 : vector<8xf32> to vector<8x1xf32>
      %eq3A_61 = vector.broadcast %broadcast_in_dim3A_60 : vector<8x1xf32> to vector<8x4096xf32>
      %eq3A_62 = arith.cmpf oeq, %min3A, %eq3A_61 : vector<8x4096xf32>
      %jit3A_63 = arith.constant 4096 : i32
      %broadcast_in_dim3A_64 = vector.broadcast %jit3A_63 : i32 to vector<8x4096xi32>
      %select_n3A_65 = arith.select %eq3A_62, %iota3A, %broadcast_in_dim3A_64 : vector<8x4096xi1>, vector<8x4096xi32>
      %reduce_min3A = arith.constant dense<2147483647> : vector<8xi32>
      %reduce_min3A_66 = vector.multi_reduction <minsi>, %select_n3A_65, %reduce_min3A [1] : vector<8x4096xi32> to vector<8xi32>
      %broadcast_in_dim3A_67 = vector.shape_cast %reduce_min3A_66 : vector<8xi32> to vector<8x1xi32>
      scf.yield %broadcast_in_dim3A_67, %min3A : vector<8x1xi32>, vector<8x4096xf32>
    }
    %scan3A_21 = arith.constant 512 : i32
    return
  }
}

module attributes {stable_mosaic.version = 14 : i64} {
  func.func @_q_body(%arg0: i32, %arg1: i32, %arg2: memref<1x64x2048xf32, #tpu.memory_space<vmem>>, %arg3: memref<1x3x2048xf32, #tpu.memory_space<vmem>>, %arg4: memref<64x67xf32, #tpu.memory_space<vmem>>, %arg5: memref<2048x64xf32, #tpu.memory_space<vmem>>) attributes {dimension_semantics = [#tpu.dimension_semantics<arbitrary>, #tpu.dimension_semantics<arbitrary>], iteration_bounds = array<i64: 8, 2>, scalar_prefetch = 0 : i64, scratch_operands = 0 : i64, tpu.core_type = #tpu.core_type<tc>, window_params = [{transform_indices = @transform_0, window_bounds = array<i64: 1, 64, 2048>}, {transform_indices = @transform_1, window_bounds = array<i64: 1, 3, 2048>}, {pipeline_mode = #tpu.pipeline_mode<synchronous>, transform_indices = @transform_2, window_bounds = array<i64: 64, 67>}, {transform_indices = @transform_3, window_bounds = array<i64: 2048, 64>}]} {
    %get3A = arith.constant 0 : index
    %get3A_0 = arith.constant 0 : index
    %get3A_1 = arith.constant 0 : index
    %get3A_2 = vector.load %arg2[%get3A, %get3A_0, %get3A_1] : memref<1x64x2048xf32, #tpu.memory_space<vmem>>, vector<1x64x2048xf32>
    %get3A_3 = vector.shape_cast %get3A_2 : vector<1x64x2048xf32> to vector<64x2048xf32>
    %get3A_4 = arith.constant 0 : index
    %get3A_5 = arith.constant 0 : index
    %get3A_6 = arith.constant 0 : index
    %get3A_7 = vector.load %arg3[%get3A_4, %get3A_5, %get3A_6] : memref<1x3x2048xf32, #tpu.memory_space<vmem>>, vector<1x3x2048xf32>
    %get3A_8 = vector.shape_cast %get3A_7 : vector<1x3x2048xf32> to vector<3x2048xf32>
    %get3A_9 = arith.constant 0 : index
    %get3A_10 = arith.constant 3 : index
    %get3A_11 = vector.load %arg4[%get3A_9, %get3A_10] : memref<64x67xf32, #tpu.memory_space<vmem>>, vector<64x64xf32>
    %get3A_12 = arith.constant 0 : index
    %get3A_13 = arith.constant 0 : index
    %get3A_14 = vector.load %arg4[%get3A_12, %get3A_13] : memref<64x67xf32, #tpu.memory_space<vmem>>, vector<64x3xf32>
    %dot_general3A = arith.constant dense<0.000000e+00> : vector<2048x64xf32>
    %dot_general3A_15 = tpu.matmul %get3A_3, %get3A_11, %dot_general3A {dimension_numbers = #tpu.dot_dimension_numbers<[0], [1], [1], [0], [0, 1, 1, 0], [], []>, transpose_lhs_hint = false} : vector<64x2048xf32>, vector<64x64xf32>, vector<2048x64xf32> -> vector<2048x64xf32>
    %dot_general3A_16 = arith.constant dense<0.000000e+00> : vector<2048x64xf32>
    %dot_general3A_17 = tpu.matmul %get3A_8, %get3A_14, %dot_general3A_16 {dimension_numbers = #tpu.dot_dimension_numbers<[0], [1], [1], [0], [0, 1, 1, 0], [], []>, transpose_lhs_hint = false} : vector<3x2048xf32>, vector<64x3xf32>, vector<2048x64xf32> -> vector<2048x64xf32>
    %add3A = arith.addf %dot_general3A_15, %dot_general3A_17 : vector<2048x64xf32>
    %swap3A = arith.constant 0 : index
    %swap3A_18 = arith.constant 0 : index
    %swap3A_19 = vector.load %arg5[%swap3A, %swap3A_18] : memref<2048x64xf32, #tpu.memory_space<vmem>>, vector<2048x64xf32>
    tpu.vector_store %arg5[%swap3A, %swap3A_18], %add3A {strides = array<i32>} : memref<2048x64xf32, #tpu.memory_space<vmem>>, vector<2048x64xf32>,
    return
  }
  func.func @transform_0(%arg0: i32, %arg1: i32) -> (i32, i32, i32) {
    %c0_i32 = arith.constant 0 : i32
    %c0_i32_0 = arith.constant 0 : i32
    return %arg0, %c0_i32, %arg1 : i32, i32, i32
  }
  func.func @transform_1(%arg0: i32, %arg1: i32) -> (i32, i32, i32) {
    %c0_i32 = arith.constant 0 : i32
    %c0_i32_0 = arith.constant 0 : i32
    return %arg0, %c0_i32, %arg1 : i32, i32, i32
  }
  func.func @transform_2(%arg0: i32, %arg1: i32) -> (i32, i32) {
    %c0_i32 = arith.constant 0 : i32
    %c0_i32_0 = arith.constant 0 : i32
    %c0_i32_1 = arith.constant 0 : i32
    return %c0_i32, %c0_i32_0 : i32, i32
  }
  func.func @transform_3(%arg0: i32, %arg1: i32) -> (i32, i32) {
    %mul3A = arith.constant 2 : i32
    %mul3A_0 = arith.muli %arg0, %mul3A : i32
    %add3A = arith.addi %mul3A_0, %arg1 : i32
    %c0_i32 = arith.constant 0 : i32
    %c0_i32_1 = arith.constant 0 : i32
    return %add3A, %c0_i32 : i32, i32
  }
}

module attributes {stable_mosaic.version = 14 : i64} {
  func.func @_dist_body(%arg0: i32, %arg1: i32, %arg2: memref<1x256x3xf32, #tpu.memory_space<vmem>>, %arg3: memref<1x3x4096xf32, #tpu.memory_space<vmem>>, %arg4: memref<256x4096xi32, #tpu.memory_space<vmem>>) attributes {dimension_semantics = [#tpu.dimension_semantics<arbitrary>, #tpu.dimension_semantics<arbitrary>], iteration_bounds = array<i64: 8, 2>, scalar_prefetch = 0 : i64, scratch_operands = 0 : i64, tpu.core_type = #tpu.core_type<tc>, window_params = [{transform_indices = @transform_0, window_bounds = array<i64: 1, 256, 3>}, {transform_indices = @transform_1, window_bounds = array<i64: 1, 3, 4096>}, {transform_indices = @transform_2, window_bounds = array<i64: 256, 4096>}]} {
    %get3A = arith.constant 0 : index
    %get3A_0 = arith.constant 0 : index
    %get3A_1 = arith.constant 0 : index
    %get3A_2 = vector.load %arg2[%get3A, %get3A_0, %get3A_1] : memref<1x256x3xf32, #tpu.memory_space<vmem>>, vector<1x256x3xf32>
    %get3A_3 = vector.shape_cast %get3A_2 : vector<1x256x3xf32> to vector<256x3xf32>
    %get3A_4 = arith.constant 0 : index
    %get3A_5 = arith.constant 0 : index
    %get3A_6 = arith.constant 0 : index
    %get3A_7 = vector.load %arg3[%get3A_4, %get3A_5, %get3A_6] : memref<1x3x4096xf32, #tpu.memory_space<vmem>>, vector<1x3x4096xf32>
    %get3A_8 = vector.shape_cast %get3A_7 : vector<1x3x4096xf32> to vector<3x4096xf32>
    %dot_general3A = arith.constant dense<0.000000e+00> : vector<256x4096xf32>
    %dot_general3A_9 = tpu.matmul %get3A_3, %get3A_8, %dot_general3A {dimension_numbers = #tpu.dot_dimension_numbers<[1], [0], [0], [1], [0, 0, 1, 1], [], []>, transpose_lhs_hint = false} : vector<256x3xf32>, vector<3x4096xf32>, vector<256x4096xf32> -> vector<256x4096xf32>
    %slice3A = vector.extract_strided_slice %get3A_3 {offsets = [0, 0], sizes = [256, 1], strides = [1, 1]} : vector<256x3xf32> to vector<256x1xf32>
    %squeeze3A = vector.shape_cast %slice3A : vector<256x1xf32> to vector<256xf32>
    %slice3A_10 = vector.extract_strided_slice %get3A_3 {offsets = [0, 0], sizes = [256, 1], strides = [1, 1]} : vector<256x3xf32> to vector<256x1xf32>
    %squeeze3A_11 = vector.shape_cast %slice3A_10 : vector<256x1xf32> to vector<256xf32>
    %mul3A = arith.mulf %squeeze3A, %squeeze3A_11 : vector<256xf32>
    %slice3A_12 = vector.extract_strided_slice %get3A_3 {offsets = [0, 1], sizes = [256, 1], strides = [1, 1]} : vector<256x3xf32> to vector<256x1xf32>
    %squeeze3A_13 = vector.shape_cast %slice3A_12 : vector<256x1xf32> to vector<256xf32>
    %slice3A_14 = vector.extract_strided_slice %get3A_3 {offsets = [0, 1], sizes = [256, 1], strides = [1, 1]} : vector<256x3xf32> to vector<256x1xf32>
    %squeeze3A_15 = vector.shape_cast %slice3A_14 : vector<256x1xf32> to vector<256xf32>
    %mul3A_16 = arith.mulf %squeeze3A_13, %squeeze3A_15 : vector<256xf32>
    %slice3A_17 = vector.extract_strided_slice %get3A_3 {offsets = [0, 2], sizes = [256, 1], strides = [1, 1]} : vector<256x3xf32> to vector<256x1xf32>
    %squeeze3A_18 = vector.shape_cast %slice3A_17 : vector<256x1xf32> to vector<256xf32>
    %slice3A_19 = vector.extract_strided_slice %get3A_3 {offsets = [0, 2], sizes = [256, 1], strides = [1, 1]} : vector<256x3xf32> to vector<256x1xf32>
    %squeeze3A_20 = vector.shape_cast %slice3A_19 : vector<256x1xf32> to vector<256xf32>
    %mul3A_21 = arith.mulf %squeeze3A_18, %squeeze3A_20 : vector<256xf32>
    %add3A = arith.addf %mul3A, %mul3A_16 : vector<256xf32>
    %add3A_22 = arith.addf %add3A, %mul3A_21 : vector<256xf32>
    %reshape3A = vector.shape_cast %add3A_22 : vector<256xf32> to vector<256x1xf32>
    %slice3A_23 = vector.extract_strided_slice %get3A_8 {offsets = [0, 0], sizes = [1, 4096], strides = [1, 1]} : vector<3x4096xf32> to vector<1x4096xf32>
    %squeeze3A_24 = vector.shape_cast %slice3A_23 : vector<1x4096xf32> to vector<4096xf32>
    %slice3A_25 = vector.extract_strided_slice %get3A_8 {offsets = [0, 0], sizes = [1, 4096], strides = [1, 1]} : vector<3x4096xf32> to vector<1x4096xf32>
    %squeeze3A_26 = vector.shape_cast %slice3A_25 : vector<1x4096xf32> to vector<4096xf32>
    %mul3A_27 = arith.mulf %squeeze3A_24, %squeeze3A_26 : vector<4096xf32>
    %slice3A_28 = vector.extract_strided_slice %get3A_8 {offsets = [1, 0], sizes = [1, 4096], strides = [1, 1]} : vector<3x4096xf32> to vector<1x4096xf32>
    %squeeze3A_29 = vector.shape_cast %slice3A_28 : vector<1x4096xf32> to vector<4096xf32>
    %slice3A_30 = vector.extract_strided_slice %get3A_8 {offsets = [1, 0], sizes = [1, 4096], strides = [1, 1]} : vector<3x4096xf32> to vector<1x4096xf32>
    %squeeze3A_31 = vector.shape_cast %slice3A_30 : vector<1x4096xf32> to vector<4096xf32>
    %mul3A_32 = arith.mulf %squeeze3A_29, %squeeze3A_31 : vector<4096xf32>
    %slice3A_33 = vector.extract_strided_slice %get3A_8 {offsets = [2, 0], sizes = [1, 4096], strides = [1, 1]} : vector<3x4096xf32> to vector<1x4096xf32>
    %squeeze3A_34 = vector.shape_cast %slice3A_33 : vector<1x4096xf32> to vector<4096xf32>
    %slice3A_35 = vector.extract_strided_slice %get3A_8 {offsets = [2, 0], sizes = [1, 4096], strides = [1, 1]} : vector<3x4096xf32> to vector<1x4096xf32>
    %squeeze3A_36 = vector.shape_cast %slice3A_35 : vector<1x4096xf32> to vector<4096xf32>
    %mul3A_37 = arith.mulf %squeeze3A_34, %squeeze3A_36 : vector<4096xf32>
    %add3A_38 = arith.addf %mul3A_27, %mul3A_32 : vector<4096xf32>
    %add3A_39 = arith.addf %add3A_38, %mul3A_37 : vector<4096xf32>
    %reshape3A_40 = vector.shape_cast %add3A_39 : vector<4096xf32> to vector<1x4096xf32>
    %mul3A_41 = arith.constant -2.000000e+00 : f32
    %mul3A_42 = vector.broadcast %mul3A_41 : f32 to vector<256x4096xf32>
    %mul3A_43 = arith.mulf %mul3A_42, %dot_general3A_9 : vector<256x4096xf32>
    %add3A_44 = vector.broadcast %reshape3A : vector<256x1xf32> to vector<256x4096xf32>
    %add3A_45 = arith.addf %mul3A_43, %add3A_44 : vector<256x4096xf32>
    %add3A_46 = vector.broadcast %reshape3A_40 : vector<1x4096xf32> to vector<256x4096xf32>
    %add3A_47 = arith.addf %add3A_45, %add3A_46 : vector<256x4096xf32>
    %gt3A = arith.constant 4.000000e-02 : f32
    %gt3A_48 = vector.broadcast %gt3A : f32 to vector<256x4096xf32>
    %gt3A_49 = arith.cmpf ogt, %add3A_47, %gt3A_48 : vector<256x4096xf32>
    %not3A = arith.constant dense<true> : vector<256x4096xi1>
    %not3A_50 = arith.xori %gt3A_49, %not3A : vector<256x4096xi1>
    %convert_element_type3A = arith.extui %not3A_50 : vector<256x4096xi1> to vector<256x4096xi32>
    %swap3A = arith.constant 0 : index
    %swap3A_51 = arith.constant 0 : index
    %swap3A_52 = vector.load %arg4[%swap3A, %swap3A_51] : memref<256x4096xi32, #tpu.memory_space<vmem>>, vector<256x4096xi32>
    tpu.vector_store %arg4[%swap3A, %swap3A_51], %convert_element_type3A {strides = array<i32>} : memref<256x4096xi32, #tpu.memory_space<vmem>>, vector<256x4096xi32>,
    return
  }
  func.func @transform_0(%arg0: i32, %arg1: i32) -> (i32, i32, i32) {
    %c0_i32 = arith.constant 0 : i32
    %c0_i32_0 = arith.constant 0 : i32
    return %arg0, %arg1, %c0_i32 : i32, i32, i32
  }
  func.func @transform_1(%arg0: i32, %arg1: i32) -> (i32, i32, i32) {
    %c0_i32 = arith.constant 0 : i32
    %c0_i32_0 = arith.constant 0 : i32
    %c0_i32_1 = arith.constant 0 : i32
    return %arg0, %c0_i32, %c0_i32_0 : i32, i32, i32
  }
  func.func @transform_2(%arg0: i32, %arg1: i32) -> (i32, i32) {
    %mul3A = arith.constant 2 : i32
    %mul3A_0 = arith.muli %arg0, %mul3A : i32
    %add3A = arith.addi %mul3A_0, %arg1 : i32
    %c0_i32 = arith.constant 0 : i32
    %c0_i32_1 = arith.constant 0 : i32
    return %add3A, %c0_i32 : i32, i32
  }
}

module attributes {stable_mosaic.version = 14 : i64} {
  func.func @_c0_body(%arg0: memref<3x4096xf32, #tpu.memory_space<vmem>>, %arg1: memref<64x67xf32, #tpu.memory_space<vmem>>, %arg2: memref<4096x64xf32, #tpu.memory_space<vmem>>) attributes {dimension_semantics = [], scalar_prefetch = 0 : i64, scratch_operands = 0 : i64, tpu.core_type = #tpu.core_type<tc>} {
    %get3A = arith.constant 0 : index
    %get3A_0 = arith.constant 0 : index
    %get3A_1 = vector.load %arg1[%get3A, %get3A_0] : memref<64x67xf32, #tpu.memory_space<vmem>>, vector<64x3xf32>
    %get3A_2 = arith.constant 0 : index
    %get3A_3 = arith.constant 0 : index
    %get3A_4 = vector.load %arg0[%get3A_2, %get3A_3] : memref<3x4096xf32, #tpu.memory_space<vmem>>, vector<3x4096xf32>
    %dot_general3A = arith.constant dense<0.000000e+00> : vector<4096x64xf32>
    %dot_general3A_5 = tpu.matmul %get3A_4, %get3A_1, %dot_general3A {dimension_numbers = #tpu.dot_dimension_numbers<[0], [1], [1], [0], [0, 1, 1, 0], [], []>, transpose_lhs_hint = false} : vector<3x4096xf32>, vector<64x3xf32>, vector<4096x64xf32> -> vector<4096x64xf32>
    %swap3A = arith.constant 0 : index
    %swap3A_6 = arith.constant 0 : index
    %swap3A_7 = vector.load %arg2[%swap3A, %swap3A_6] : memref<4096x64xf32, #tpu.memory_space<vmem>>, vector<4096x64xf32>
    tpu.vector_store %arg2[%swap3A, %swap3A_6], %dot_general3A_5 {strides = array<i32>} : memref<4096x64xf32, #tpu.memory_space<vmem>>, vector<4096x64xf32>,
    return
  }
}

module attributes {stable_mosaic.version = 14 : i64} {
  func.func @_p1_body(%arg0: i32, %arg1: memref<4096x64xf32, #tpu.memory_space<vmem>>, %arg2: memref<128x64xf32, #tpu.memory_space<vmem>>, %arg3: memref<1x2x64xf32, #tpu.memory_space<vmem>>) attributes {dimension_semantics = [#tpu.dimension_semantics<arbitrary>], iteration_bounds = array<i64: 32>, scalar_prefetch = 0 : i64, scratch_operands = 0 : i64, tpu.core_type = #tpu.core_type<tc>, window_params = [{transform_indices = @transform_0, window_bounds = array<i64: 4096, 64>}, {transform_indices = @transform_1, window_bounds = array<i64: 128, 64>}, {transform_indices = @transform_2, window_bounds = array<i64: 1, 2, 64>}]} {
    %get3A = arith.constant 0 : index
    %get3A_0 = arith.constant 0 : index
    %get3A_1 = vector.load %arg1[%get3A, %get3A_0] : memref<4096x64xf32, #tpu.memory_space<vmem>>, vector<4096x64xf32>
    %get3A_2 = arith.constant 0 : index
    %get3A_3 = arith.constant 0 : index
    %get3A_4 = vector.load %arg2[%get3A_2, %get3A_3] : memref<128x64xf32, #tpu.memory_space<vmem>>, vector<128x64xf32>
    %broadcast_in_dim3A = vector.shape_cast %get3A_4 : vector<128x64xf32> to vector<128x1x64xf32>
    %broadcast_in_dim3A_5 = vector.shape_cast %broadcast_in_dim3A : vector<128x1x64xf32> to vector<128x1x64xf32>
    %broadcast_in_dim3A_6 = vector.broadcast %broadcast_in_dim3A_5 : vector<128x1x64xf32> to vector<128x32x64xf32>
    %reshape3A = vector.shape_cast %broadcast_in_dim3A_6 : vector<128x32x64xf32> to vector<4096x64xf32>
    %sub3A = arith.subf %get3A_1, %reshape3A : vector<4096x64xf32>
    %reduce_sum3A = arith.constant dense<0.000000e+00> : vector<64xf32>
    %reduce_sum3A_7 = vector.multi_reduction <add>, %sub3A, %reduce_sum3A [0] : vector<4096x64xf32> to vector<64xf32>
    %swap3A = arith.constant 0 : index
    %swap3A_8 = arith.constant 0 : index
    %swap3A_9 = arith.constant 0 : index
    %swap3A_10 = vector.load %arg3[%swap3A, %swap3A_8, %swap3A_9] : memref<1x2x64xf32, #tpu.memory_space<vmem>>, vector<1x1x64xf32>
    %swap3A_11 = vector.shape_cast %swap3A_10 : vector<1x1x64xf32> to vector<64xf32>
    %swap3A_12 = vector.shape_cast %reduce_sum3A_7 : vector<64xf32> to vector<1x1x64xf32>
    tpu.vector_store %arg3[%swap3A, %swap3A_8, %swap3A_9], %swap3A_12 {strides = array<i32>} : memref<1x2x64xf32, #tpu.memory_space<vmem>>, vector<1x1x64xf32>,
    %mul3A = arith.mulf %sub3A, %sub3A : vector<4096x64xf32>
    %reduce_sum3A_13 = arith.constant dense<0.000000e+00> : vector<64xf32>
    %reduce_sum3A_14 = vector.multi_reduction <add>, %mul3A, %reduce_sum3A_13 [0] : vector<4096x64xf32> to vector<64xf32>
    %swap3A_15 = arith.constant 0 : index
    %swap3A_16 = arith.constant 1 : index
    %swap3A_17 = arith.constant 0 : index
    %swap3A_18 = vector.load %arg3[%swap3A_15, %swap3A_16, %swap3A_17] : memref<1x2x64xf32, #tpu.memory_space<vmem>>, vector<1x1x64xf32>
    %swap3A_19 = vector.shape_cast %swap3A_18 : vector<1x1x64xf32> to vector<64xf32>
    %swap3A_20 = vector.shape_cast %reduce_sum3A_14 : vector<64xf32> to vector<1x1x64xf32>
    tpu.vector_store %arg3[%swap3A_15, %swap3A_16, %swap3A_17], %swap3A_20 {strides = array<i32>} : memref<1x2x64xf32, #tpu.memory_space<vmem>>, vector<1x1x64xf32>,
    return
  }
  func.func @transform_0(%arg0: i32) -> (i32, i32) {
    %c0_i32 = arith.constant 0 : i32
    %c0_i32_0 = arith.constant 0 : i32
    return %arg0, %c0_i32 : i32, i32
  }
  func.func @transform_1(%arg0: i32) -> (i32, i32) {
    %c0_i32 = arith.constant 0 : i32
    %c0_i32_0 = arith.constant 0 : i32
    return %arg0, %c0_i32 : i32, i32
  }
  func.func @transform_2(%arg0: i32) -> (i32, i32, i32) {
    %c0_i32 = arith.constant 0 : i32
    %c0_i32_0 = arith.constant 0 : i32
    %c0_i32_1 = arith.constant 0 : i32
    return %arg0, %c0_i32, %c0_i32_0 : i32, i32, i32
  }
}

module attributes {stable_mosaic.version = 14 : i64} {
  func.func @_p2_body(%arg0: i32, %arg1: memref<4096x64xf32, #tpu.memory_space<vmem>>, %arg2: memref<128x64xf32, #tpu.memory_space<vmem>>, %arg3: memref<32x2x64xf32, #tpu.memory_space<vmem>>, %arg4: memref<1x64xf32, #tpu.memory_space<vmem>>, %arg5: memref<1x64xf32, #tpu.memory_space<vmem>>, %arg6: memref<64x64xf32, #tpu.memory_space<vmem>>, %arg7: memref<4096x64xf32, #tpu.memory_space<vmem>>, %arg8: memref<1x2x64xf32, #tpu.memory_space<vmem>>) attributes {dimension_semantics = [#tpu.dimension_semantics<arbitrary>], iteration_bounds = array<i64: 32>, scalar_prefetch = 0 : i64, scratch_operands = 0 : i64, tpu.core_type = #tpu.core_type<tc>, window_params = [{transform_indices = @transform_0, window_bounds = array<i64: 4096, 64>}, {transform_indices = @transform_1, window_bounds = array<i64: 128, 64>}, {pipeline_mode = #tpu.pipeline_mode<synchronous>, transform_indices = @transform_2, window_bounds = array<i64: 32, 2, 64>}, {pipeline_mode = #tpu.pipeline_mode<synchronous>, transform_indices = @transform_3, window_bounds = array<i64: 1, 64>}, {pipeline_mode = #tpu.pipeline_mode<synchronous>, transform_indices = @transform_4, window_bounds = array<i64: 1, 64>}, {pipeline_mode = #tpu.pipeline_mode<synchronous>, transform_indices = @transform_5, window_bounds = array<i64: 64, 64>}, {transform_indices = @transform_6, window_bounds = array<i64: 4096, 64>}, {transform_indices = @transform_7, window_bounds = array<i64: 1, 2, 64>}]} {
    %get3A = arith.constant 0 : index
    %get3A_0 = arith.constant 0 : index
    %get3A_1 = arith.constant 0 : index
    %get3A_2 = vector.load %arg3[%get3A, %get3A_0, %get3A_1] : memref<32x2x64xf32, #tpu.memory_space<vmem>>, vector<32x2x64xf32>
    %get3A_3 = arith.constant 0 : index
    %get3A_4 = arith.constant 0 : index
    %get3A_5 = vector.load %arg4[%get3A_3, %get3A_4] : memref<1x64xf32, #tpu.memory_space<vmem>>, vector<1x64xf32>
    %get3A_6 = arith.constant 0 : index
    %get3A_7 = arith.constant 0 : index
    %get3A_8 = vector.load %arg5[%get3A_6, %get3A_7] : memref<1x64xf32, #tpu.memory_space<vmem>>, vector<1x64xf32>
    %reduce_sum3A = arith.constant dense<0.000000e+00> : vector<2x64xf32>
    %reduce_sum3A_9 = vector.multi_reduction <add>, %get3A_2, %reduce_sum3A [0] : vector<32x2x64xf32> to vector<2x64xf32>
    %slice3A = vector.extract_strided_slice %reduce_sum3A_9 {offsets = [0, 0], sizes = [1, 64], strides = [1, 1]} : vector<2x64xf32> to vector<1x64xf32>
    %div3A = arith.constant 1.310720e+05 : f32
    %div3A_10 = vector.broadcast %div3A : f32 to vector<1x64xf32>
    %div3A_11 = arith.divf %slice3A, %div3A_10 : vector<1x64xf32>
    %slice3A_12 = vector.extract_strided_slice %reduce_sum3A_9 {offsets = [1, 0], sizes = [1, 64], strides = [1, 1]} : vector<2x64xf32> to vector<1x64xf32>
    %div3A_13 = arith.constant 1.310720e+05 : f32
    %div3A_14 = vector.broadcast %div3A_13 : f32 to vector<1x64xf32>
    %div3A_15 = arith.divf %slice3A_12, %div3A_14 : vector<1x64xf32>
    %mul3A = arith.mulf %div3A_11, %div3A_11 : vector<1x64xf32>
    %sub3A = arith.subf %div3A_15, %mul3A : vector<1x64xf32>
    %max3A = arith.constant 0.000000e+00 : f32
    %max3A_16 = vector.broadcast %max3A : f32 to vector<1x64xf32>
    %max3A_17 = arith.maximumf %sub3A, %max3A_16 : vector<1x64xf32>
    %add3A = arith.constant 9.99999974E-6 : f32
    %add3A_18 = vector.broadcast %add3A : f32 to vector<1x64xf32>
    %add3A_19 = arith.addf %max3A_17, %add3A_18 : vector<1x64xf32>
    %sqrt3A = math.sqrt %add3A_19 : vector<1x64xf32>
    %div3A_20 = arith.divf %get3A_5, %sqrt3A : vector<1x64xf32>
    %mul3A_21 = arith.mulf %div3A_11, %div3A_20 : vector<1x64xf32>
    %sub3A_22 = arith.subf %get3A_8, %mul3A_21 : vector<1x64xf32>
    %get3A_23 = arith.constant 0 : index
    %get3A_24 = arith.constant 0 : index
    %get3A_25 = vector.load %arg1[%get3A_23, %get3A_24] : memref<4096x64xf32, #tpu.memory_space<vmem>>, vector<4096x64xf32>
    %get3A_26 = arith.constant 0 : index
    %get3A_27 = arith.constant 0 : index
    %get3A_28 = vector.load %arg2[%get3A_26, %get3A_27] : memref<128x64xf32, #tpu.memory_space<vmem>>, vector<128x64xf32>
    %broadcast_in_dim3A = vector.shape_cast %get3A_28 : vector<128x64xf32> to vector<128x1x64xf32>
    %broadcast_in_dim3A_29 = vector.shape_cast %broadcast_in_dim3A : vector<128x1x64xf32> to vector<128x1x64xf32>
    %broadcast_in_dim3A_30 = vector.broadcast %broadcast_in_dim3A_29 : vector<128x1x64xf32> to vector<128x32x64xf32>
    %reshape3A = vector.shape_cast %broadcast_in_dim3A_30 : vector<128x32x64xf32> to vector<4096x64xf32>
    %sub3A_31 = arith.subf %get3A_25, %reshape3A : vector<4096x64xf32>
    %mul3A_32 = vector.broadcast %div3A_20 : vector<1x64xf32> to vector<4096x64xf32>
    %mul3A_33 = arith.mulf %sub3A_31, %mul3A_32 : vector<4096x64xf32>
    %add3A_34 = vector.broadcast %sub3A_22 : vector<1x64xf32> to vector<4096x64xf32>
    %add3A_35 = arith.addf %mul3A_33, %add3A_34 : vector<4096x64xf32>
    %max3A_36 = arith.constant 0.000000e+00 : f32
    %max3A_37 = vector.broadcast %max3A_36 : f32 to vector<4096x64xf32>
    %max3A_38 = arith.maximumf %add3A_35, %max3A_37 : vector<4096x64xf32>
    %get3A_39 = arith.constant 0 : index
    %get3A_40 = arith.constant 0 : index
    %get3A_41 = vector.load %arg6[%get3A_39, %get3A_40] : memref<64x64xf32, #tpu.memory_space<vmem>>, vector<64x64xf32>
    %dot_general3A = arith.constant dense<0.000000e+00> : vector<4096x64xf32>
    %dot_general3A_42 = tpu.matmul %max3A_38, %get3A_41, %dot_general3A {dimension_numbers = #tpu.dot_dimension_numbers<[1], [1], [0], [0], [0, 0, 1, 0], [], []>, transpose_lhs_hint = false} : vector<4096x64xf32>, vector<64x64xf32>, vector<4096x64xf32> -> vector<4096x64xf32>
    %swap3A = arith.constant 0 : index
    %swap3A_43 = arith.constant 0 : index
    %swap3A_44 = vector.load %arg7[%swap3A, %swap3A_43] : memref<4096x64xf32, #tpu.memory_space<vmem>>, vector<4096x64xf32>
    tpu.vector_store %arg7[%swap3A, %swap3A_43], %dot_general3A_42 {strides = array<i32>} : memref<4096x64xf32, #tpu.memory_space<vmem>>, vector<4096x64xf32>,
    %reduce_sum3A_45 = arith.constant dense<0.000000e+00> : vector<64xf32>
    %reduce_sum3A_46 = vector.multi_reduction <add>, %dot_general3A_42, %reduce_sum3A_45 [0] : vector<4096x64xf32> to vector<64xf32>
    %swap3A_47 = arith.constant 0 : index
    %swap3A_48 = arith.constant 0 : index
    %swap3A_49 = arith.constant 0 : index
    %swap3A_50 = vector.load %arg8[%swap3A_47, %swap3A_48, %swap3A_49] : memref<1x2x64xf32, #tpu.memory_space<vmem>>, vector<1x1x64xf32>
    %swap3A_51 = vector.shape_cast %swap3A_50 : vector<1x1x64xf32> to vector<64xf32>
    %swap3A_52 = vector.shape_cast %reduce_sum3A_46 : vector<64xf32> to vector<1x1x64xf32>
    tpu.vector_store %arg8[%swap3A_47, %swap3A_48, %swap3A_49], %swap3A_52 {strides = array<i32>} : memref<1x2x64xf32, #tpu.memory_space<vmem>>, vector<1x1x64xf32>,
    %mul3A_53 = arith.mulf %dot_general3A_42, %dot_general3A_42 : vector<4096x64xf32>
    %reduce_sum3A_54 = arith.constant dense<0.000000e+00> : vector<64xf32>
    %reduce_sum3A_55 = vector.multi_reduction <add>, %mul3A_53, %reduce_sum3A_54 [0] : vector<4096x64xf32> to vector<64xf32>
    %swap3A_56 = arith.constant 0 : index
    %swap3A_57 = arith.constant 1 : index
    %swap3A_58 = arith.constant 0 : index
    %swap3A_59 = vector.load %arg8[%swap3A_56, %swap3A_57, %swap3A_58] : memref<1x2x64xf32, #tpu.memory_space<vmem>>, vector<1x1x64xf32>
    %swap3A_60 = vector.shape_cast %swap3A_59 : vector<1x1x64xf32> to vector<64xf32>
    %swap3A_61 = vector.shape_cast %reduce_sum3A_55 : vector<64xf32> to vector<1x1x64xf32>
    tpu.vector_store %arg8[%swap3A_56, %swap3A_57, %swap3A_58], %swap3A_61 {strides = array<i32>} : memref<1x2x64xf32, #tpu.memory_space<vmem>>, vector<1x1x64xf32>,
    return
  }
  func.func @transform_0(%arg0: i32) -> (i32, i32) {
    %c0_i32 = arith.constant 0 : i32
    %c0_i32_0 = arith.constant 0 : i32
    return %arg0, %c0_i32 : i32, i32
  }
  func.func @transform_1(%arg0: i32) -> (i32, i32) {
    %c0_i32 = arith.constant 0 : i32
    %c0_i32_0 = arith.constant 0 : i32
    return %arg0, %c0_i32 : i32, i32
  }
  func.func @transform_2(%arg0: i32) -> (i32, i32, i32) {
    %c0_i32 = arith.constant 0 : i32
    %c0_i32_0 = arith.constant 0 : i32
    %c0_i32_1 = arith.constant 0 : i32
    %c0_i32_2 = arith.constant 0 : i32
    return %c0_i32, %c0_i32_0, %c0_i32_1 : i32, i32, i32
  }
  func.func @transform_3(%arg0: i32) -> (i32, i32) {
    %c0_i32 = arith.constant 0 : i32
    %c0_i32_0 = arith.constant 0 : i32
    %c0_i32_1 = arith.constant 0 : i32
    return %c0_i32, %c0_i32_0 : i32, i32
  }
  func.func @transform_4(%arg0: i32) -> (i32, i32) {
    %c0_i32 = arith.constant 0 : i32
    %c0_i32_0 = arith.constant 0 : i32
    %c0_i32_1 = arith.constant 0 : i32
    return %c0_i32, %c0_i32_0 : i32, i32
  }
  func.func @transform_5(%arg0: i32) -> (i32, i32) {
    %c0_i32 = arith.constant 0 : i32
    %c0_i32_0 = arith.constant 0 : i32
    %c0_i32_1 = arith.constant 0 : i32
    return %c0_i32, %c0_i32_0 : i32, i32
  }
  func.func @transform_6(%arg0: i32) -> (i32, i32) {
    %c0_i32 = arith.constant 0 : i32
    %c0_i32_0 = arith.constant 0 : i32
    return %arg0, %c0_i32 : i32, i32
  }
  func.func @transform_7(%arg0: i32) -> (i32, i32, i32) {
    %c0_i32 = arith.constant 0 : i32
    %c0_i32_0 = arith.constant 0 : i32
    %c0_i32_1 = arith.constant 0 : i32
    return %arg0, %c0_i32, %c0_i32_0 : i32, i32, i32
  }
}

module attributes {stable_mosaic.version = 14 : i64} {
  func.func @_p3_body(%arg0: i32, %arg1: memref<4096x64xf32, #tpu.memory_space<vmem>>, %arg2: memref<32x2x64xf32, #tpu.memory_space<vmem>>, %arg3: memref<1x64xf32, #tpu.memory_space<vmem>>, %arg4: memref<1x64xf32, #tpu.memory_space<vmem>>, %arg5: memref<128x64xf32, #tpu.memory_space<vmem>>, %arg6: memref<128x128xf32, #tpu.memory_space<vmem>>, %arg7: memref<128x128xf32, #tpu.memory_space<vmem>>, %arg8: memref<1x2x128xf32, #tpu.memory_space<vmem>>) attributes {dimension_semantics = [#tpu.dimension_semantics<arbitrary>], iteration_bounds = array<i64: 32>, scalar_prefetch = 0 : i64, scratch_operands = 0 : i64, tpu.core_type = #tpu.core_type<tc>, window_params = [{transform_indices = @transform_0, window_bounds = array<i64: 4096, 64>}, {pipeline_mode = #tpu.pipeline_mode<synchronous>, transform_indices = @transform_1, window_bounds = array<i64: 32, 2, 64>}, {pipeline_mode = #tpu.pipeline_mode<synchronous>, transform_indices = @transform_2, window_bounds = array<i64: 1, 64>}, {pipeline_mode = #tpu.pipeline_mode<synchronous>, transform_indices = @transform_3, window_bounds = array<i64: 1, 64>}, {pipeline_mode = #tpu.pipeline_mode<synchronous>, transform_indices = @transform_4, window_bounds = array<i64: 128, 64>}, {transform_indices = @transform_5, window_bounds = array<i64: 128, 128>}, {transform_indices = @transform_6, window_bounds = array<i64: 128, 128>}, {transform_indices = @transform_7, window_bounds = array<i64: 1, 2, 128>}]} {
    %get3A = arith.constant 0 : index
    %get3A_0 = arith.constant 0 : index
    %get3A_1 = arith.constant 0 : index
    %get3A_2 = vector.load %arg2[%get3A, %get3A_0, %get3A_1] : memref<32x2x64xf32, #tpu.memory_space<vmem>>, vector<32x2x64xf32>
    %get3A_3 = arith.constant 0 : index
    %get3A_4 = arith.constant 0 : index
    %get3A_5 = vector.load %arg3[%get3A_3, %get3A_4] : memref<1x64xf32, #tpu.memory_space<vmem>>, vector<1x64xf32>
    %get3A_6 = arith.constant 0 : index
    %get3A_7 = arith.constant 0 : index
    %get3A_8 = vector.load %arg4[%get3A_6, %get3A_7] : memref<1x64xf32, #tpu.memory_space<vmem>>, vector<1x64xf32>
    %reduce_sum3A = arith.constant dense<0.000000e+00> : vector<2x64xf32>
    %reduce_sum3A_9 = vector.multi_reduction <add>, %get3A_2, %reduce_sum3A [0] : vector<32x2x64xf32> to vector<2x64xf32>
    %slice3A = vector.extract_strided_slice %reduce_sum3A_9 {offsets = [0, 0], sizes = [1, 64], strides = [1, 1]} : vector<2x64xf32> to vector<1x64xf32>
    %div3A = arith.constant 1.310720e+05 : f32
    %div3A_10 = vector.broadcast %div3A : f32 to vector<1x64xf32>
    %div3A_11 = arith.divf %slice3A, %div3A_10 : vector<1x64xf32>
    %slice3A_12 = vector.extract_strided_slice %reduce_sum3A_9 {offsets = [1, 0], sizes = [1, 64], strides = [1, 1]} : vector<2x64xf32> to vector<1x64xf32>
    %div3A_13 = arith.constant 1.310720e+05 : f32
    %div3A_14 = vector.broadcast %div3A_13 : f32 to vector<1x64xf32>
    %div3A_15 = arith.divf %slice3A_12, %div3A_14 : vector<1x64xf32>
    %mul3A = arith.mulf %div3A_11, %div3A_11 : vector<1x64xf32>
    %sub3A = arith.subf %div3A_15, %mul3A : vector<1x64xf32>
    %max3A = arith.constant 0.000000e+00 : f32
    %max3A_16 = vector.broadcast %max3A : f32 to vector<1x64xf32>
    %max3A_17 = arith.maximumf %sub3A, %max3A_16 : vector<1x64xf32>
    %add3A = arith.constant 9.99999974E-6 : f32
    %add3A_18 = vector.broadcast %add3A : f32 to vector<1x64xf32>
    %add3A_19 = arith.addf %max3A_17, %add3A_18 : vector<1x64xf32>
    %sqrt3A = math.sqrt %add3A_19 : vector<1x64xf32>
    %div3A_20 = arith.divf %get3A_5, %sqrt3A : vector<1x64xf32>
    %mul3A_21 = arith.mulf %div3A_11, %div3A_20 : vector<1x64xf32>
    %sub3A_22 = arith.subf %get3A_8, %mul3A_21 : vector<1x64xf32>
    %get3A_23 = arith.constant 0 : index
    %get3A_24 = arith.constant 0 : index
    %get3A_25 = vector.load %arg1[%get3A_23, %get3A_24] : memref<4096x64xf32, #tpu.memory_space<vmem>>, vector<4096x64xf32>
    %mul3A_26 = vector.broadcast %div3A_20 : vector<1x64xf32> to vector<4096x64xf32>
    %mul3A_27 = arith.mulf %get3A_25, %mul3A_26 : vector<4096x64xf32>
    %add3A_28 = vector.broadcast %sub3A_22 : vector<1x64xf32> to vector<4096x64xf32>
    %add3A_29 = arith.addf %mul3A_27, %add3A_28 : vector<4096x64xf32>
    %max3A_30 = arith.constant 0.000000e+00 : f32
    %max3A_31 = vector.broadcast %max3A_30 : f32 to vector<4096x64xf32>
    %max3A_32 = arith.maximumf %add3A_29, %max3A_31 : vector<4096x64xf32>
    %get3A_33 = arith.constant 0 : index
    %get3A_34 = arith.constant 0 : index
    %get3A_35 = vector.load %arg5[%get3A_33, %get3A_34] : memref<128x64xf32, #tpu.memory_space<vmem>>, vector<128x64xf32>
    %dot_general3A = arith.constant dense<0.000000e+00> : vector<4096x128xf32>
    %dot_general3A_36 = tpu.matmul %max3A_32, %get3A_35, %dot_general3A {dimension_numbers = #tpu.dot_dimension_numbers<[1], [1], [0], [0], [0, 0, 1, 0], [], []>, transpose_lhs_hint = false} : vector<4096x64xf32>, vector<128x64xf32>, vector<4096x128xf32> -> vector<4096x128xf32>
    %reshape3A = vector.shape_cast %dot_general3A_36 : vector<4096x128xf32> to vector<128x32x128xf32>
    %reduce_max3A = arith.constant dense<0xFF800000> : vector<128x128xf32>
    %reduce_max3A_37 = vector.multi_reduction <maximumf>, %reshape3A, %reduce_max3A [1] : vector<128x32x128xf32> to vector<128x128xf32>
    %swap3A = arith.constant 0 : index
    %swap3A_38 = arith.constant 0 : index
    %swap3A_39 = vector.load %arg6[%swap3A, %swap3A_38] : memref<128x128xf32, #tpu.memory_space<vmem>>, vector<128x128xf32>
    tpu.vector_store %arg6[%swap3A, %swap3A_38], %reduce_max3A_37 {strides = array<i32>} : memref<128x128xf32, #tpu.memory_space<vmem>>, vector<128x128xf32>,
    %reduce_min3A = arith.constant dense<0x7F800000> : vector<128x128xf32>
    %reduce_min3A_40 = vector.multi_reduction <minimumf>, %reshape3A, %reduce_min3A [1] : vector<128x32x128xf32> to vector<128x128xf32>
    %swap3A_41 = arith.constant 0 : index
    %swap3A_42 = arith.constant 0 : index
    %swap3A_43 = vector.load %arg7[%swap3A_41, %swap3A_42] : memref<128x128xf32, #tpu.memory_space<vmem>>, vector<128x128xf32>
    tpu.vector_store %arg7[%swap3A_41, %swap3A_42], %reduce_min3A_40 {strides = array<i32>} : memref<128x128xf32, #tpu.memory_space<vmem>>, vector<128x128xf32>,
    %reduce_sum3A_44 = arith.constant dense<0.000000e+00> : vector<128xf32>
    %reduce_sum3A_45 = vector.multi_reduction <add>, %dot_general3A_36, %reduce_sum3A_44 [0] : vector<4096x128xf32> to vector<128xf32>
    %swap3A_46 = arith.constant 0 : index
    %swap3A_47 = arith.constant 0 : index
    %swap3A_48 = arith.constant 0 : index
    %swap3A_49 = vector.load %arg8[%swap3A_46, %swap3A_47, %swap3A_48] : memref<1x2x128xf32, #tpu.memory_space<vmem>>, vector<1x1x128xf32>
    %swap3A_50 = vector.shape_cast %swap3A_49 : vector<1x1x128xf32> to vector<128xf32>
    %swap3A_51 = vector.shape_cast %reduce_sum3A_45 : vector<128xf32> to vector<1x1x128xf32>
    tpu.vector_store %arg8[%swap3A_46, %swap3A_47, %swap3A_48], %swap3A_51 {strides = array<i32>} : memref<1x2x128xf32, #tpu.memory_space<vmem>>, vector<1x1x128xf32>,
    %mul3A_52 = arith.mulf %dot_general3A_36, %dot_general3A_36 : vector<4096x128xf32>
    %reduce_sum3A_53 = arith.constant dense<0.000000e+00> : vector<128xf32>
    %reduce_sum3A_54 = vector.multi_reduction <add>, %mul3A_52, %reduce_sum3A_53 [0] : vector<4096x128xf32> to vector<128xf32>
    %swap3A_55 = arith.constant 0 : index
    %swap3A_56 = arith.constant 1 : index
    %swap3A_57 = arith.constant 0 : index
    %swap3A_58 = vector.load %arg8[%swap3A_55, %swap3A_56, %swap3A_57] : memref<1x2x128xf32, #tpu.memory_space<vmem>>, vector<1x1x128xf32>
    %swap3A_59 = vector.shape_cast %swap3A_58 : vector<1x1x128xf32> to vector<128xf32>
    %swap3A_60 = vector.shape_cast %reduce_sum3A_54 : vector<128xf32> to vector<1x1x128xf32>
    tpu.vector_store %arg8[%swap3A_55, %swap3A_56, %swap3A_57], %swap3A_60 {strides = array<i32>} : memref<1x2x128xf32, #tpu.memory_space<vmem>>, vector<1x1x128xf32>,
    return
  }
  func.func @transform_0(%arg0: i32) -> (i32, i32) {
    %c0_i32 = arith.constant 0 : i32
    %c0_i32_0 = arith.constant 0 : i32
    return %arg0, %c0_i32 : i32, i32
  }
  func.func @transform_1(%arg0: i32) -> (i32, i32, i32) {
    %c0_i32 = arith.constant 0 : i32
    %c0_i32_0 = arith.constant 0 : i32
    %c0_i32_1 = arith.constant 0 : i32
    %c0_i32_2 = arith.constant 0 : i32
    return %c0_i32, %c0_i32_0, %c0_i32_1 : i32, i32, i32
  }
  func.func @transform_2(%arg0: i32) -> (i32, i32) {
    %c0_i32 = arith.constant 0 : i32
    %c0_i32_0 = arith.constant 0 : i32
    %c0_i32_1 = arith.constant 0 : i32
    return %c0_i32, %c0_i32_0 : i32, i32
  }
  func.func @transform_3(%arg0: i32) -> (i32, i32) {
    %c0_i32 = arith.constant 0 : i32
    %c0_i32_0 = arith.constant 0 : i32
    %c0_i32_1 = arith.constant 0 : i32
    return %c0_i32, %c0_i32_0 : i32, i32
  }
  func.func @transform_4(%arg0: i32) -> (i32, i32) {
    %c0_i32 = arith.constant 0 : i32
    %c0_i32_0 = arith.constant 0 : i32
    %c0_i32_1 = arith.constant 0 : i32
    return %c0_i32, %c0_i32_0 : i32, i32
  }
  func.func @transform_5(%arg0: i32) -> (i32, i32) {
    %c0_i32 = arith.constant 0 : i32
    %c0_i32_0 = arith.constant 0 : i32
    return %arg0, %c0_i32 : i32, i32
  }
  func.func @transform_6(%arg0: i32) -> (i32, i32) {
    %c0_i32 = arith.constant 0 : i32
    %c0_i32_0 = arith.constant 0 : i32
    return %arg0, %c0_i32 : i32, i32
  }
  func.func @transform_7(%arg0: i32) -> (i32, i32, i32) {
    %c0_i32 = arith.constant 0 : i32
    %c0_i32_0 = arith.constant 0 : i32
    %c0_i32_1 = arith.constant 0 : i32
    return %arg0, %c0_i32, %c0_i32_0 : i32, i32, i32
  }
}

module attributes {stable_mosaic.version = 14 : i64} {
  func.func @_p4_body(%arg0: memref<4096x128xf32, #tpu.memory_space<vmem>>, %arg1: memref<4096x128xf32, #tpu.memory_space<vmem>>, %arg2: memref<32x2x128xf32, #tpu.memory_space<vmem>>, %arg3: memref<1x128xf32, #tpu.memory_space<vmem>>, %arg4: memref<1x128xf32, #tpu.memory_space<vmem>>, %arg5: memref<4096x128xf32, #tpu.memory_space<vmem>>) attributes {dimension_semantics = [], scalar_prefetch = 0 : i64, scratch_operands = 0 : i64, tpu.core_type = #tpu.core_type<tc>} {
    %get3A = arith.constant 0 : index
    %get3A_0 = arith.constant 0 : index
    %get3A_1 = arith.constant 0 : index
    %get3A_2 = vector.load %arg2[%get3A, %get3A_0, %get3A_1] : memref<32x2x128xf32, #tpu.memory_space<vmem>>, vector<32x2x128xf32>
    %get3A_3 = arith.constant 0 : index
    %get3A_4 = arith.constant 0 : index
    %get3A_5 = vector.load %arg3[%get3A_3, %get3A_4] : memref<1x128xf32, #tpu.memory_space<vmem>>, vector<1x128xf32>
    %get3A_6 = arith.constant 0 : index
    %get3A_7 = arith.constant 0 : index
    %get3A_8 = vector.load %arg4[%get3A_6, %get3A_7] : memref<1x128xf32, #tpu.memory_space<vmem>>, vector<1x128xf32>
    %reduce_sum3A = arith.constant dense<0.000000e+00> : vector<2x128xf32>
    %reduce_sum3A_9 = vector.multi_reduction <add>, %get3A_2, %reduce_sum3A [0] : vector<32x2x128xf32> to vector<2x128xf32>
    %slice3A = vector.extract_strided_slice %reduce_sum3A_9 {offsets = [0, 0], sizes = [1, 128], strides = [1, 1]} : vector<2x128xf32> to vector<1x128xf32>
    %div3A = arith.constant 1.310720e+05 : f32
    %div3A_10 = vector.broadcast %div3A : f32 to vector<1x128xf32>
    %div3A_11 = arith.divf %slice3A, %div3A_10 : vector<1x128xf32>
    %slice3A_12 = vector.extract_strided_slice %reduce_sum3A_9 {offsets = [1, 0], sizes = [1, 128], strides = [1, 1]} : vector<2x128xf32> to vector<1x128xf32>
    %div3A_13 = arith.constant 1.310720e+05 : f32
    %div3A_14 = vector.broadcast %div3A_13 : f32 to vector<1x128xf32>
    %div3A_15 = arith.divf %slice3A_12, %div3A_14 : vector<1x128xf32>
    %mul3A = arith.mulf %div3A_11, %div3A_11 : vector<1x128xf32>
    %sub3A = arith.subf %div3A_15, %mul3A : vector<1x128xf32>
    %max3A = arith.constant 0.000000e+00 : f32
    %max3A_16 = vector.broadcast %max3A : f32 to vector<1x128xf32>
    %max3A_17 = arith.maximumf %sub3A, %max3A_16 : vector<1x128xf32>
    %add3A = arith.constant 9.99999974E-6 : f32
    %add3A_18 = vector.broadcast %add3A : f32 to vector<1x128xf32>
    %add3A_19 = arith.addf %max3A_17, %add3A_18 : vector<1x128xf32>
    %sqrt3A = math.sqrt %add3A_19 : vector<1x128xf32>
    %div3A_20 = arith.divf %get3A_5, %sqrt3A : vector<1x128xf32>
    %mul3A_21 = arith.mulf %div3A_11, %div3A_20 : vector<1x128xf32>
    %sub3A_22 = arith.subf %get3A_8, %mul3A_21 : vector<1x128xf32>
    %ge3A = arith.constant 0.000000e+00 : f32
    %ge3A_23 = vector.broadcast %ge3A : f32 to vector<1x128xf32>
    %ge3A_24 = arith.cmpf oge, %div3A_20, %ge3A_23 : vector<1x128xf32>
    %get3A_25 = arith.constant 0 : index
    %get3A_26 = arith.constant 0 : index
    %get3A_27 = vector.load %arg0[%get3A_25, %get3A_26] : memref<4096x128xf32, #tpu.memory_space<vmem>>, vector<4096x128xf32>
    %get3A_28 = arith.constant 0 : index
    %get3A_29 = arith.constant 0 : index
    %get3A_30 = vector.load %arg1[%get3A_28, %get3A_29] : memref<4096x128xf32, #tpu.memory_space<vmem>>, vector<4096x128xf32>
    %broadcast_in_dim3A = vector.shape_cast %ge3A_24 : vector<1x128xi1> to vector<1x128xi1>
    %broadcast_in_dim3A_31 = vector.broadcast %broadcast_in_dim3A : vector<1x128xi1> to vector<4096x128xi1>
    %select_n3A = arith.select %broadcast_in_dim3A_31, %get3A_27, %get3A_30 : vector<4096x128xi1>, vector<4096x128xf32>
    %mul3A_32 = vector.broadcast %div3A_20 : vector<1x128xf32> to vector<4096x128xf32>
    %mul3A_33 = arith.mulf %select_n3A, %mul3A_32 : vector<4096x128xf32>
    %add3A_34 = vector.broadcast %sub3A_22 : vector<1x128xf32> to vector<4096x128xf32>
    %add3A_35 = arith.addf %mul3A_33, %add3A_34 : vector<4096x128xf32>
    %max3A_36 = arith.constant 0.000000e+00 : f32
    %max3A_37 = vector.broadcast %max3A_36 : f32 to vector<4096x128xf32>
    %max3A_38 = arith.maximumf %add3A_35, %max3A_37 : vector<4096x128xf32>
    %swap3A = arith.constant 0 : index
    %swap3A_39 = arith.constant 0 : index
    %swap3A_40 = vector.load %arg5[%swap3A, %swap3A_39] : memref<4096x128xf32, #tpu.memory_space<vmem>>, vector<4096x128xf32>
    tpu.vector_store %arg5[%swap3A, %swap3A_39], %max3A_38 {strides = array<i32>} : memref<4096x128xf32, #tpu.memory_space<vmem>>, vector<4096x128xf32>,
    return
  }
}

</mosaic_0001>

<sc_bundles>
// kernel: kernel.12.cloned.1.call-start
scs
__scs_entry_jumppad:
0x0: {  	(pc) =	sbr.rel $0x88, $3  }
0x1: {  	(tag) =	ssettag $0x0;
	lr =	simm.s32 $0x1  }
0x2: {  	[smem:$0x3F96] =	sst lr;
	_ =	strace $0xD0000000  }
0x3: {  	_ = 	snop  }
0x4: {  	_ = 	snop  }
0x5: {  	_ = 	snop  }
0x6: {  	_ = 	snop  }
0x7: {  	_ = 	snop  }
__scs_overlays_trampoline_lowered:
0x8: {  	[smem:$0x3FA5] =	sst s0  }
0x9: {  	[smem:$0x3FA6] =	sst s1  }
0xa: {  	[smem:$0x3FA7] =	sst s2  }
0xb: {  	[smem:$0x3FA8] =	sst s3  }
0xc: {  	[smem:$0x3FA9] =	sst s4  }
0xd: {  	[smem:$0x3FAA] =	sst s5  }
0xe: {  	[smem:$0x3FAB] =	sst s6  }
0xf: {  	[smem:$0x3FAC] =	sst s7  }
0x10: {  	[smem:$0x3FAD] =	sst s8  }
0x11: {  	[smem:$0x3FAE] =	sst s9;
	s0 =	simm.s32 @!p0 $0x0  }
0x12: {  	s1 =	sld [smem:$0x3F94];
	s0 =	simm.s32 @p0 $0x1  }
0x13: {  	[smem:$0x3FAF] =	sst s0;
	s0 =	simm.s32 @!p1 $0x0  }
0x14: {  	s2 =	sld [smem:$0x3F93];
	s0 =	simm.s32 @p1 $0x1  }
0x15: {  	[smem:$0x3FB0] =	sst s0;
	s0 =	simm.s32 @!p2 $0x0  }
0x16: {  	s3 =	sld [smem:$0x3FDB];
	s0 =	simm.s32 @p2 $0x1  }
0x17: {  	s4 =	simm.s32 $0x1BF5;
	[smem:$0x3FB2] =	sst s0  }
0x18: {  	s0 =	sld [smem:$0x3F95];
	_ =	swait.ge [sflag:s4], $0x0  }
0x19: {  	s7 =	sld [smem:$0x3F96]  }
0x1a: {  	s8 =	sadd.s32 $0xFFFFE003, lr  }
0x1b: {  	s9 =	sadd.s32 $0xFFFFFEF7, lr;
	s5 =	simm.s32 $0xFFFFFFFF;
	p2 =	slt.u32 s8, $0xFFFFF086  }
0x1c: {  	p1 =	slt.u32 s9, $0xF7A;
	s5 =	simm.s32 @!p2 $0x0  }
0x1d: {  	s5 =	simm.s32 @p1 $0x1;
	p0 =	seq.s32 s7, s2  }
0x1e: {  	s7 =	smul.u32 @!p0 $0xF7A, s2;
	p2 =	seq.s32 @!p0 s5, $0x0  }
0x1f: {  	s9 =	smul.u32 $0xF7A, s1;
	s8 =	simm.s32 @!p0 $0x1BF5;
	p2 =	por !p2, p0  }
0x20: {  	[sflag:s8] =	ssyncset.s32 @!p0 $0xFFFFF086;
	s6 =	sadd.s32 @!p0 s3, s7;
	s7 =	simm.s32 @!p0 $0x108  }
0x21: {  	s3 =	sadd.s32 s3, s9;
	s6 =	sadd.s32 @!p0 $0x88, s6;
	s7 =	simm.s32 @p2 $0x1082  }
0x22: {  	[simem:s7], [sflag:s8] =	dma.local @!p0 [hbm:s6], $0xF7A  }
0x23: {  	s9 =	sor.u32 $0xD0000000, s2;
	s6 =	simm.s32 $0x108;
	_ =	swait.ge @!p0 [sflag:s8], $0x0  }
0x24: {  	s3 =	sadd.s32 $0x88, s3;
	s6 =	simm.s32 @!p1 $0x1082;
	[sflag:s4] =	ssyncset.s32 $0xFFFFF086  }
0x25: {  	[simem:s6], [sflag:s4] =	dma.local [hbm:s3], $0xF7A  }
0x26: {  	[smem:$0x3F96] =	sst s1;
	(tag) =	ssettag s2;
	_ =	strace s9  }
0x27: {  	s1 =	sld [smem:$0x3FA6]  }
0x28: {  	s2 =	sld [smem:$0x3FA7]  }
0x29: {  	s4 =	sld [smem:$0x3FA9]  }
0x2a: {  	p0 =	seq.s32 s5, $0x0;
	s5 =	sld [smem:$0x3FAA]  }
0x2b: {  	s6 =	sld [smem:$0x3FAB]  }
0x2c: {  	s7 =	sld [smem:$0x3FAC]  }
0x2d: {  	s3 =	simm.s32 $0x108;
	s8 =	sld [smem:$0x3FAD]  }
0x2e: {  	s3 =	simm.s32 @!p0 $0x1082;
	s9 =	sld [smem:$0x3FAE]  }
0x2f: {  	lr =	sadd.s32 s0, s3;
	s0 =	sld [smem:$0x3FA5]  }
0x30: {  	s3 =	sld [smem:$0x3FA8]  }
0x31: {  	[smem:$0x3FB1] =	sst s10  }
0x32: {  	s10 =	sld [smem:$0x3FAF];
	_ =	sdelay $0x3  }
0x33: {  	p0 =	seq.s32 s10, $0x1;
	s10 =	sld [smem:$0x3FB1];
	_ =	sdelay $0x3  }
0x34: {  	[smem:$0x3FB1] =	sst s10  }
0x35: {  	s10 =	sld [smem:$0x3FB0];
	_ =	sdelay $0x3  }
0x36: {  	p1 =	seq.s32 s10, $0x1;
	s10 =	sld [smem:$0x3FB1];
	_ =	sdelay $0x3  }
0x37: {  	[smem:$0x3FB1] =	sst s10  }
0x38: {  	s10 =	sld [smem:$0x3FB2]  }
0x39: {  	_ = 	snop;
	(pc) =	sbr.ind lr, $3  }
0x3a: {  	_ = 	snop  }
0x3b: {  	_ = 	snop  }
0x3c: {  	p2 =	seq.s32 s10, $0x1;
	s10 =	sld [smem:$0x3FB1]  }
0x3d: {  	_ =	shalt  }
0x3e: {  	_ =	shalt  }
0x3f: {  	_ =	shalt  }
0x40: {  	_ =	shalt  }
0x41: {  	_ =	shalt  }
0x42: {  	_ =	shalt  }
0x43: {  	_ =	shalt  }
0x44: {  	_ =	shalt  }
0x45: {  	_ =	shalt  }
0x46: {  	_ =	shalt  }
0x47: {  	_ =	shalt  }
0x48: {  	_ =	shalt  }
0x49: {  	_ =	shalt  }
0x4a: {  	_ =	shalt  }
0x4b: {  	_ =	shalt  }
0x4c: {  	_ =	shalt  }
0x4d: {  	_ =	shalt  }
0x4e: {  	_ =	shalt  }
0x4f: {  	_ =	shalt  }
0x50: {  	_ =	shalt  }
0x51: {  	_ =	shalt  }
0x52: {  	_ =	shalt  }
0x53: {  	_ =	shalt  }
0x54: {  	_ =	shalt  }
0x55: {  	_ =	shalt  }
0x56: {  	_ =	shalt  }
0x57: {  	_ =	shalt  }
0x58: {  	_ =	shalt  }
0x59: {  	_ =	shalt  }
0x5a: {  	_ =	shalt  }
0x5b: {  	_ =	shalt  }
0x5c: {  	_ =	shalt  }
0x5d: {  	_ =	shalt  }
0x5e: {  	_ =	shalt  }
0x5f: {  	_ =	shalt  }
0x60: {  	_ =	shalt  }
0x61: {  	_ =	shalt  }
0x62: {  	_ =	shalt  }
0x63: {  	_ =	shalt  }
0x64: {  	_ =	shalt  }
0x65: {  	_ =	shalt  }
0x66: {  	_ =	shalt  }
0x67: {  	_ =	shalt  }
0x68: {  	_ =	shalt  }
0x69: {  	_ =	shalt  }
0x6a: {  	_ =	shalt  }
0x6b: {  	_ =	shalt  }
0x6c: {  	_ =	shalt  }
0x6d: {  	_ =	shalt  }
0x6e: {  	_ =	shalt  }
0x6f: {  	_ =	shalt  }
0x70: {  	_ =	shalt  }
0x71: {  	_ =	shalt  }
0x72: {  	_ =	shalt  }
0x73: {  	_ =	shalt  }
0x74: {  	_ =	shalt  }
0x75: {  	_ =	shalt  }
0x76: {  	_ =	shalt  }
0x77: {  	_ =	shalt  }
0x78: {  	_ =	shalt  }
0x79: {  	_ =	shalt  }
0x7a: {  	_ =	shalt  }
0x7b: {  	_ =	shalt  }
0x7c: {  	_ =	shalt  }
0x7d: {  	_ =	shalt  }
0x7e: {  	_ =	shalt  }
0x7f: {  	_ =	shalt  }
0x80: {  	_ =	shalt  }
0x81: {  	_ =	shalt  }
0x82: {  	_ =	shalt  }
0x83: {  	_ =	shalt  }
0x84: {  	_ =	shalt  }
0x85: {  	_ =	shalt  }
0x86: {  	_ =	shalt  }
0x87: {  	_ =	shalt  }
.Lfunc_end0:
.L_simem_size_0:
called_computation.1_lowered:
.L_overlay_start_0:
0x88: {  	s2 =	sld [smem:$0x3FD9]  }
0x89: {  	s3 =	sld [smem:$0x3FFE];
	_ =	sdelay $0x1  }
0x8a: {  	s1 =	srdreg.scid  }
0x8b: {  	s0 =	sand.u32 $0x1, s1  }
0x8c: {  	s16 =	sshll.u32 s0, $0xA;
	s2 =	sadd.s32 s3, s2  }
0x8d: {  	s2 =	sadd.s32 s2, s16  }
0x8e: {  	[smem:$0x3FBD] =	sst s2  }
0x8f: {  	_ = 	snop  }
0x90: {  	(tm) =	ssettm $0x1  }
0x91: {  	s17 =	sld [smem:$0x3FFB];
	_ =	sdelay $0x3  }
0x92: {  	_ =	strace s17  }
0x93: {  	s2 =	sld [smem:$0x3FFC];
	_ =	sdelay $0x3  }
0x94: {  	_ =	strace s2  }
0x95: {  	s2 =	sld [smem:$0x3FFD];
	_ =	sdelay $0x3  }
0x96: {  	_ =	strace s2  }
0x97: {  	_ =	strace $0x8FFFFFFF  }
0x98: {  	s18 =	sld [smem:$0x3FDB];
	_ =	sdelay $0x1  }
0x99: {  	s19 =	simm.s32 $_scs_section_size  }
0x9a: {  	s4 =	simm.s32 $_size__tile_overlayer_lowered;
	s5 =	simm.s32 $_tile_overlayer_lowered  }
0x9b: {  	s22 =	simm.s32 $0x1BFF;
	s21 =	sshll.u32 s5, $0x1;
	s2 =	sadd.s32 s19, s18  }
0x9c: {  	s6 =	simm.s32 $0x0;
	s20 =	sshll.u32 s4, $0x1;
	s4 =	sadd.s32 s21, s2  }
0x9d: {  	[timem:s6], [sflag:s22] =	dma.local [hbm:s4], s20  }
0x9e: {  	_ =	swait.ge [sflag:s22], s20  }
0x9f: {  	s3 =	ssub.s32 $0x0, s20;
	[sflag:s22] =	ssyncset.done $0x0  }
0xa0: {  	[sflag:s22] =	ssyncadd.s32 s3;
	_ =	sdelay $0x1  }
0xa1: {  	s23 =	simm.s32 $0x1B8B  }
0xa2: {  	_ =	swait.ge [sflag:s23], $0x1  }
0xa3: {  	[sflag:s23] =	ssyncset.done $0x0  }
0xa4: {  	s25 =	simm.s32 $0x1B8E;
	s24 =	sld [smem:$0x3FFE];
	[sflag:s23] =	ssyncadd.s32 $0xFFFFFFFF  }
0xa5: {  	s26 =	simm.s32 $execute0_lowered;
	[smem:$0x3FD2] =	sst s25  }
0xa6: {  	s4 =	sshll.u32 s26, $0x1;
	_ =	strace $0x80000049;
	[dreg:$0x1] =	wrdreg $0xFFFFFFFF  }
0xa7: {  	s28 =	simm.s32 $_size_execute0_lowered;
	s2 =	sadd.s32 s2, s4;
	[dreg:$0x0] =	wrdreg $0x0  }
0xa8: {  	s4 =	sshll.u32 s28, $0x1;
	[dreg:$0x2] =	wrdreg s2  }
0xa9: {  	[dreg:$0x3] =	wrdreg s4  }
0xaa: {  	[dreg:$0x4] =	wrdreg $0xC0  }
0xab: {  	_ =	task [dreg:s6], $0x5FFFF  }
0xac: {  	[dreg:$0x1] =	wrdreg $0xFFFFFFFF  }
0xad: {  	[dreg:$0x0] =	wrdreg $0x60  }
0xae: {  	[dreg:$0x2] =	wrdreg s24  }
0xaf: {  	[dreg:$0x3] =	wrdreg $0x9  }
0xb0: {  	_ =	task.clear_ibuf [dreg:s6], $0x4FFFF;
	_ =	strace $0x90000049  }
0xb1: {  	s29 =	simm.s32 $0x9;
	_ =	strace $0x8000004B  }
0xb2: {  	_ =	swait.ge [sflag:s29], $0x1  }
0xb3: {  	[sflag:s29] =	ssyncadd.s32 $0xFFFFFFFF  }
0xb4: {  	_ =	strace $0x9000004B  }
0xb5: {  	_ =	sfence  }
0xb6: {  	s30 =	sld [smem:$0x0];
	_ =	sdelay $0x2  }
0xb7: {  	s31 =	sshll.u32 s1, $0xD;
	s1 =	sshrl.u32 s1, $0x2  }
0xb8: {  	s3 =	sand.u32 $0x4000, s31;
	s1 =	sadd.s32 s1, s30  }
0xb9: {  	s0 =	sor.u32 s3, s0;
	s1 =	sshll.u32 s1, $0x11  }
0xba: {  	s0 =	sor.u32 s1, s0  }
0xbb: {  	s0 =	sadd.s32 $0x8F2B, s0  }
0xbc: {  	[sflag:s0] =	ssyncadd.remote.s32 $0x1  }
0xbd: {  	_ =	sfence.sel $0xFFFF  }
0xbe: {  	[dreg:$0x0] =	wrdreg $0xFFFFFFFF;
	(pc) =	sbr.abs _section_cstart, $3  }
0xbf: {  	[dreg:$0x1] =	wrdreg $0xFFFFFFFF  }
0xc0: {  	_ =	task.clear_ibuf [dreg:s6], $0x2FFFF;
	_ =	strace $0x9FFFFFFF  }
0xc1: {  	(tm) =	ssettm $0x7FFFFFFF  }
tec
execute0_lowered:
.L_overlay_start_1:
0x0: {  	(tag) =	ssettag $0x1  }
0x1: {  	s3 =	rddreg [dreg:$0x0]  }
0x2: {  	s0 =	rddreg [dreg:$0x1];
	s4 =	srdreg.scid  }
0x3: {  	s1 =	stileid.u32;
	s2 =	simm.s32 $0x0;
	s8 =	simm.s32 $0x1  }
0x4: {  	s9 =	simm.s32 $0x10000;
	s10 =	simm.s32 $0x10100;
	s12 =	simm.s32 $0x3  }
0x5: {  	s13 =	simm.s32 $0x0;
	s4 =	sand.u32 $0x1, s4;
	s5 =	sshll.u32 s1, $0x1  }
0x6: {  	[smem:$0x7FF] =	sst s2;
	s31 =	sshll.u32 s1, $0xB;
	s5 =	sor.u32 s4, s5  }
0x7: {  	_ =	strace $0x8000004A;
	s4 =	ssub.s32 $0x2, s4;
	s11 =	sand.u32 $0x7000, s31  }
0x8: {  	s6 =	sshll.u32 s5, $0x10;
	s5 =	sshll.u32 s5, $0x9;
	s7 =	sshrl.u32 s4, $0x1  }
0x9: {  	v1 =	vmov s11;
	s11 =	simm.s32 $0x2;
	s6 =	sadd.s32 s6, s3;
	s5 =	sadd.s32 s5, s3  }
0xa: {  	v0 =	vlaneseq.u32;
	s7 =	ssub.s32 s4, s7;
	s3 =	sadd.s32 $0x204000, s6;
	s4 =	sadd.s32 $0x206000, s6  }
0xb: {  	v2 =	vimm.s32 $0xF;
	v3 =	vor.u32 $0x10, v0;
	s5 =	sadd.s32 $0x4000, s5;
	s6 =	smax.u32 s7, $0x1;
	s7 =	simm.s32 $0x8000  }
.LBB2_1:
0xc: {  	[tilespmem:s2], [sflag:$0x1] =	stream.linear.gather [hbm4b:s3+s2], $0x8000, $0x38;
	[tilespmem:$0x11100] =	vst v63  }
0xd: {  	s14 =	simm.s32 $0x0  }
.LBB2_2:
0xe: {  	s15 =	sshll.u32 s14, $0x4  }
0xf: {  	s15 =	sor.u32 $0x8, s15  }
0x10: {  	s16 =	sshll.u32 s15, $0x9  }
0x11: {  	s17 =	sadd.s32 s16, s3;
	s16 =	simm.s32 $0x0  }
0x12: {  	[tilespmem:s7], [sflag:$0x2] =	stream.linear.gather [hbm4b:s17+s16], $0x8000, $0x38;
	[tilespmem:$0x11100] =	vst v63  }
0x13: {  	_ =	swait.ge [sflag:s8], $0x8000  }
0x14: {  	[sflag:s8] =	ssyncset.done $0x0  }
0x15: {  	s18 =	simm.s32 $0x40;
	s17 =	sshll.u32 s14, $0x9;
	[sflag:s8] =	ssyncadd.s32 $0xFFFF8000  }
.LBB2_3:
0x16: {  	s19 =	smov.u32 s18  }
0x17: {  	s20 =	simm.s32 $0x0;
	s22 =	simm.s32 $0x0;
	s21 =	simm.s32 $0x0  }
.LBB2_4:
0x18: {  	v4 =	vld [tilespmem:s19+$0xFFFFFFC0];
	_ =	sdelay $0x4  }
0x19: {  	(xrf0) =	vadd.scan.msk.s32 $0xffff, v4;
	_ =	sdelay $0x5  }
0x1a: {  	v5, _, _ =	vpop (xrf0)  }
0x1b: {  	vm0 =	vgt.s32 v4, $0x0;
	v6 =	vadd.s32 s22, v5  }
0x1c: {  	v4 =	vadd.s32 $0xFFFFFFFF, v6;
	_ =	sdelay $0x3  }
0x1d: {  	v45 =	vor.u32 s20, v0  }
0x1e: {  	[tilespmem:v4+s9+$0x0] =	vst.idx.msk vm0, v45  }
0x1f: {  	v4 =	vld [tilespmem:s19+$0xFFFFFFD0];
	_ =	sdelay $0x4  }
0x20: {  	(xrf0) =	vadd.scan.msk.s32 $0xffff, v4;
	_ =	sdelay $0x3  }
0x21: {  	v5 =	vperm.xlane v5, v2;
	_ =	sdelay $0x1  }
0x22: {  	v5 =	vadd.s32 s22, v5;
	v46, _, _ =	vpop (xrf0)  }
0x23: {  	vm9 =	vgt.s32 v4, $0x0;
	v7 =	vadd.s32 v46, v5  }
0x24: {  	v4 =	vadd.s32 $0xFFFFFFFF, v7;
	_ =	sdelay $0x2  }
0x25: {  	s24 =	sadd.s32 $0x10, s20  }
0x26: {  	v47 =	vor.u32 s24, v0  }
0x27: {  	[tilespmem:v4+s9+$0x0] =	vst.idx.msk vm9, v47  }
0x28: {  	v4 =	vld [tilespmem:s19+$0xFFFFFFE0];
	_ =	sdelay $0x4  }
0x29: {  	(xrf0) =	vadd.scan.msk.s32 $0xffff, v4;
	_ =	sdelay $0x3  }
0x2a: {  	v6 =	vperm.xlane v46, v2;
	_ =	sdelay $0x1  }
0x2b: {  	v5 =	vadd.s32 v5, v6;
	v48, _, _ =	vpop (xrf0)  }
0x2c: {  	vm10 =	vgt.s32 v4, $0x0;
	v49 =	vadd.s32 v48, v5  }
0x2d: {  	v4 =	vadd.s32 $0xFFFFFFFF, v49;
	_ =	sdelay $0x2  }
0x2e: {  	s25 =	sadd.s32 $0x20, s20  }
0x2f: {  	v50 =	vor.u32 s25, v0  }
0x30: {  	[tilespmem:v4+s9+$0x0] =	vst.idx.msk vm10, v50  }
0x31: {  	v4 =	vld [tilespmem:s19+$0xFFFFFFF0];
	_ =	sdelay $0x4  }
0x32: {  	(xrf0) =	vadd.scan.msk.s32 $0xffff, v4;
	_ =	sdelay $0x3  }
0x33: {  	v6 =	vperm.xlane v48, v2;
	_ =	sdelay $0x1  }
0x34: {  	v5 =	vadd.s32 v5, v6;
	v51, _, _ =	vpop (xrf0)  }
0x35: {  	vm11 =	vgt.s32 v4, $0x0;
	v52 =	vadd.s32 v51, v5  }
0x36: {  	v4 =	vadd.s32 $0xFFFFFFFF, v52;
	_ =	sdelay $0x2  }
0x37: {  	s26 =	sadd.s32 $0x30, s20  }
0x38: {  	v53 =	vor.u32 s26, v0  }
0x39: {  	[tilespmem:v4+s9+$0x0] =	vst.idx.msk vm11, v53  }
0x3a: {  	v4 =	vld [tilespmem:s19+$0x0];
	_ =	sdelay $0x4  }
0x3b: {  	(xrf0) =	vadd.scan.msk.s32 $0xffff, v4;
	_ =	sdelay $0x3  }
0x3c: {  	v6 =	vperm.xlane v51, v2;
	_ =	sdelay $0x1  }
0x3d: {  	v5 =	vadd.s32 v5, v6;
	v54, _, _ =	vpop (xrf0)  }
0x3e: {  	vm12 =	vgt.s32 v4, $0x0;
	v55 =	vadd.s32 v54, v5  }
0x3f: {  	v4 =	vadd.s32 $0xFFFFFFFF, v55;
	_ =	sdelay $0x2  }
0x40: {  	s28 =	sadd.s32 $0x40, s20  }
0x41: {  	v56 =	vor.u32 s28, v0  }
0x42: {  	[tilespmem:v4+s9+$0x0] =	vst.idx.msk vm12, v56  }
0x43: {  	v4 =	vld [tilespmem:s19+$0x10];
	_ =	sdelay $0x4  }
0x44: {  	(xrf0) =	vadd.scan.msk.s32 $0xffff, v4;
	_ =	sdelay $0x3  }
0x45: {  	v6 =	vperm.xlane v54, v2;
	_ =	sdelay $0x1  }
0x46: {  	v5 =	vadd.s32 v5, v6;
	v57, _, _ =	vpop (xrf0)  }
0x47: {  	vm13 =	vgt.s32 v4, $0x0;
	v58 =	vadd.s32 v57, v5  }
0x48: {  	v4 =	vadd.s32 $0xFFFFFFFF, v58;
	_ =	sdelay $0x2  }
0x49: {  	s29 =	sadd.s32 $0x50, s20  }
0x4a: {  	v59 =	vor.u32 s29, v0  }
0x4b: {  	[tilespmem:v4+s9+$0x0] =	vst.idx.msk vm13, v59  }
0x4c: {  	v4 =	vld [tilespmem:s19+$0x20];
	_ =	sdelay $0x4  }
0x4d: {  	(xrf0) =	vadd.scan.msk.s32 $0xffff, v4;
	_ =	sdelay $0x3  }
0x4e: {  	v6 =	vperm.xlane v57, v2;
	_ =	sdelay $0x1  }
0x4f: {  	v5 =	vadd.s32 v5, v6;
	v60, _, _ =	vpop (xrf0)  }
0x50: {  	vm14 =	vgt.s32 v4, $0x0;
	v61 =	vadd.s32 v60, v5  }
0x51: {  	v4 =	vadd.s32 $0xFFFFFFFF, v61;
	_ =	sdelay $0x2  }
0x52: {  	s30 =	sadd.s32 $0x60, s20  }
0x53: {  	v62 =	vor.u32 s30, v0  }
0x54: {  	[tilespmem:v4+s9+$0x0] =	vst.idx.msk vm14, v62  }
0x55: {  	v4 =	vld [tilespmem:s19+$0x30];
	_ =	sdelay $0x4  }
0x56: {  	(xrf0) =	vadd.scan.msk.s32 $0xffff, v4;
	_ =	sdelay $0x5  }
0x57: {  	v6 =	vperm.xlane v60, v2;
	v63, _, _ =	vpop (xrf0)  }
0x58: {  	v8 =	vperm.xlane v63, v2  }
0x59: {  	v5 =	vadd.s32 v5, v6  }
0x5a: {  	v6 =	vadd.s32 v5, v8  }
0x5b: {  	v6 =	vxor.u32 $0x80000000, v6  }
0x5c: {  	(xrf0) =	vmax.scan.msk.u32 $0xffff, v6;
	_ =	sdelay $0x5  }
0x5d: {  	v6, _, _ =	vpop (xrf0)  }
0x5e: {  	(v2sf) =	vpush v6, $0xF;
	_ =	sdelay $0xe  }
0x5f: {  	s31 =	spop (v2sf)  }
0x60: {  	p0 =	sgt.u32 s21, $0x1E;
	s22 =	sxor.u32 $0x80000000, s31  }
0x61: {  	vm15 =	vgt.s32 v4, $0x0;
	v5 =	vadd.s32 v63, v5;
	p1 =	slt.s32 @!p0 s22, $0x20  }
0x62: {  	v4 =	vadd.s32 $0xFFFFFFFF, v5;
	p0 =	por p0, !p1  }
.Ltmp0:
0x63: {  	_ = 	snop;
	(pc) =	sbr.rel @!p0 .LBB2_4-.Ltmp0, $4  }
0x64: {  	_ = 	snop  }
0x65: {  	s23 =	sadd.s32 $0x70, s20  }
0x66: {  	v5 =	vor.u32 s23, v0  }
0x67: {  	s21 =	sadd.s32 $0x1, s21;
	s20 =	sadd.s32 $0x80, s20;
	s19 =	sadd.s32 $0x80, s19;
	[tilespmem:v4+s9+$0x0] =	vst.idx.msk vm15, v5  }
0x68: {  	v4 =	vld.msk [tilespmem:s9+$0x0], $0xffff  }
0x69: {  	v5 =	vld [tilespmem:$0x10000];
	s19 =	sshll.u32 s16, $0x5  }
0x6a: {  	s19 =	sadd.s32 s17, s19  }
0x6b: {  	v6 =	vor.u32 s19, v0  }
0x6c: {  	v7 =	vmov s22  }
0x6d: {  	vm0 =	vgt.s32 v7, v0  }
0x6e: {  	v5 =	vsel vm0, v5, v4  }
0x6f: {  	v5 =	vadd.s32 v1, v5  }
0x70: {  	[tilespmem:v6+s10+$0x0] =	vst.idx.msk $0xffff, v5  }
0x71: {  	v5 =	vld [tilespmem:$0x10010]  }
0x72: {  	s16 =	sadd.s32 $0x1, s16  }
0x73: {  	p0 =	sne.s32 s16, $0x8;
	v63 =	vor.u32 s19, v3  }
.Ltmp1:
0x74: {  	_ = 	snop;
	(pc) =	sbr.rel @p0 .LBB2_3-.Ltmp1, $4  }
0x75: {  	vm15 =	vgt.s32 v7, v3  }
0x76: {  	v4 =	vsel vm15, v5, v4  }
0x77: {  	v4 =	vadd.s32 v1, v4  }
0x78: {  	s18 =	sadd.s32 $0x1000, s18;
	[tilespmem:v63+s10+$0x0] =	vst.idx.msk $0xffff, v4  }
0x79: {  	p0 =	seq.s32 s14, $0x7  }
0x7a: {  	s16 =	sshll.u32 @!p0 s14, $0xD  }
0x7b: {  	s17 =	simm.s32 @!p0 $0x0;
	s16 =	sadd.s32 @!p0 s16, s4  }
0x7c: {  	[tilespmem:s17], [sflag:$0x1] =	stream.linear.gather @!p0 [hbm4b:s16+s17], $0x8000, $0x38;
	[tilespmem:$0x11100] =	vst v63  }
0x7d: {  	_ =	swait.ge [sflag:s11], $0x8000  }
0x7e: {  	[sflag:s11] =	ssyncset.done $0x0  }
0x7f: {  	s16 =	simm.s32 $0x0;
	s17 =	simm.s32 $0x8040;
	[sflag:s11] =	ssyncadd.s32 $0xFFFF8000  }
.LBB2_7:
0x80: {  	s18 =	smov.u32 s17  }
0x81: {  	s19 =	simm.s32 $0x0;
	s21 =	simm.s32 $0x0;
	s20 =	simm.s32 $0x0  }
.LBB2_8:
0x82: {  	v4 =	vld [tilespmem:s18+$0xFFFFFFC0];
	_ =	sdelay $0x4  }
0x83: {  	(xrf0) =	vadd.scan.msk.s32 $0xffff, v4;
	_ =	sdelay $0x5  }
0x84: {  	v5, _, _ =	vpop (xrf0)  }
0x85: {  	vm0 =	vgt.s32 v4, $0x0;
	v6 =	vadd.s32 s21, v5  }
0x86: {  	v4 =	vadd.s32 $0xFFFFFFFF, v6;
	_ =	sdelay $0x3  }
0x87: {  	v45 =	vor.u32 s19, v0  }
0x88: {  	[tilespmem:v4+s9+$0x0] =	vst.idx.msk vm0, v45  }
0x89: {  	v4 =	vld [tilespmem:s18+$0xFFFFFFD0];
	_ =	sdelay $0x4  }
0x8a: {  	(xrf0) =	vadd.scan.msk.s32 $0xffff, v4;
	_ =	sdelay $0x3  }
0x8b: {  	v5 =	vperm.xlane v5, v2;
	_ =	sdelay $0x1  }
0x8c: {  	v5 =	vadd.s32 s21, v5;
	v46, _, _ =	vpop (xrf0)  }
0x8d: {  	vm9 =	vgt.s32 v4, $0x0;
	v7 =	vadd.s32 v46, v5  }
0x8e: {  	v4 =	vadd.s32 $0xFFFFFFFF, v7;
	_ =	sdelay $0x2  }
0x8f: {  	s24 =	sadd.s32 $0x10, s19  }
0x90: {  	v47 =	vor.u32 s24, v0  }
0x91: {  	[tilespmem:v4+s9+$0x0] =	vst.idx.msk vm9, v47  }
0x92: {  	v4 =	vld [tilespmem:s18+$0xFFFFFFE0];
	_ =	sdelay $0x4  }
0x93: {  	(xrf0) =	vadd.scan.msk.s32 $0xffff, v4;
	_ =	sdelay $0x3  }
0x94: {  	v6 =	vperm.xlane v46, v2;
	_ =	sdelay $0x1  }
0x95: {  	v5 =	vadd.s32 v5, v6;
	v48, _, _ =	vpop (xrf0)  }
0x96: {  	vm10 =	vgt.s32 v4, $0x0;
	v49 =	vadd.s32 v48, v5  }
0x97: {  	v4 =	vadd.s32 $0xFFFFFFFF, v49;
	_ =	sdelay $0x2  }
0x98: {  	s25 =	sadd.s32 $0x20, s19  }
0x99: {  	v50 =	vor.u32 s25, v0  }
0x9a: {  	[tilespmem:v4+s9+$0x0] =	vst.idx.msk vm10, v50  }
0x9b: {  	v4 =	vld [tilespmem:s18+$0xFFFFFFF0];
	_ =	sdelay $0x4  }
0x9c: {  	(xrf0) =	vadd.scan.msk.s32 $0xffff, v4;
	_ =	sdelay $0x3  }
0x9d: {  	v6 =	vperm.xlane v48, v2;
	_ =	sdelay $0x1  }
0x9e: {  	v5 =	vadd.s32 v5, v6;
	v51, _, _ =	vpop (xrf0)  }
0x9f: {  	vm11 =	vgt.s32 v4, $0x0;
	v52 =	vadd.s32 v51, v5  }
0xa0: {  	v4 =	vadd.s32 $0xFFFFFFFF, v52;
	_ =	sdelay $0x2  }
0xa1: {  	s26 =	sadd.s32 $0x30, s19  }
0xa2: {  	v53 =	vor.u32 s26, v0  }
0xa3: {  	[tilespmem:v4+s9+$0x0] =	vst.idx.msk vm11, v53  }
0xa4: {  	v4 =	vld [tilespmem:s18+$0x0];
	_ =	sdelay $0x4  }
0xa5: {  	(xrf0) =	vadd.scan.msk.s32 $0xffff, v4;
	_ =	sdelay $0x3  }
0xa6: {  	v6 =	vperm.xlane v51, v2;
	_ =	sdelay $0x1  }
0xa7: {  	v5 =	vadd.s32 v5, v6;
	v54, _, _ =	vpop (xrf0)  }
0xa8: {  	vm12 =	vgt.s32 v4, $0x0;
	v55 =	vadd.s32 v54, v5  }
0xa9: {  	v4 =	vadd.s32 $0xFFFFFFFF, v55;
	_ =	sdelay $0x2  }
0xaa: {  	s28 =	sadd.s32 $0x40, s19  }
0xab: {  	v56 =	vor.u32 s28, v0  }
0xac: {  	[tilespmem:v4+s9+$0x0] =	vst.idx.msk vm12, v56  }
0xad: {  	v4 =	vld [tilespmem:s18+$0x10];
	_ =	sdelay $0x4  }
0xae: {  	(xrf0) =	vadd.scan.msk.s32 $0xffff, v4;
	_ =	sdelay $0x3  }
0xaf: {  	v6 =	vperm.xlane v54, v2;
	_ =	sdelay $0x1  }
0xb0: {  	v5 =	vadd.s32 v5, v6;
	v57, _, _ =	vpop (xrf0)  }
0xb1: {  	vm13 =	vgt.s32 v4, $0x0;
	v58 =	vadd.s32 v57, v5  }
0xb2: {  	v4 =	vadd.s32 $0xFFFFFFFF, v58;
	_ =	sdelay $0x2  }
0xb3: {  	s29 =	sadd.s32 $0x50, s19  }
0xb4: {  	v59 =	vor.u32 s29, v0  }
0xb5: {  	[tilespmem:v4+s9+$0x0] =	vst.idx.msk vm13, v59  }
0xb6: {  	v4 =	vld [tilespmem:s18+$0x20];
	_ =	sdelay $0x4  }
0xb7: {  	(xrf0) =	vadd.scan.msk.s32 $0xffff, v4;
	_ =	sdelay $0x3  }
0xb8: {  	v6 =	vperm.xlane v57, v2;
	_ =	sdelay $0x1  }
0xb9: {  	v5 =	vadd.s32 v5, v6;
	v60, _, _ =	vpop (xrf0)  }
0xba: {  	vm14 =	vgt.s32 v4, $0x0;
	v61 =	vadd.s32 v60, v5  }
0xbb: {  	v4 =	vadd.s32 $0xFFFFFFFF, v61;
	_ =	sdelay $0x2  }
0xbc: {  	s30 =	sadd.s32 $0x60, s19  }
0xbd: {  	v62 =	vor.u32 s30, v0  }
0xbe: {  	[tilespmem:v4+s9+$0x0] =	vst.idx.msk vm14, v62  }
0xbf: {  	v4 =	vld [tilespmem:s18+$0x30];
	_ =	sdelay $0x4  }
0xc0: {  	(xrf0) =	vadd.scan.msk.s32 $0xffff, v4;
	_ =	sdelay $0x5  }
0xc1: {  	v6 =	vperm.xlane v60, v2;
	v63, _, _ =	vpop (xrf0)  }
0xc2: {  	v8 =	vperm.xlane v63, v2  }
0xc3: {  	v5 =	vadd.s32 v5, v6  }
0xc4: {  	v6 =	vadd.s32 v5, v8  }
0xc5: {  	v6 =	vxor.u32 $0x80000000, v6  }
0xc6: {  	(xrf0) =	vmax.scan.msk.u32 $0xffff, v6;
	_ =	sdelay $0x5  }
0xc7: {  	v6, _, _ =	vpop (xrf0)  }
0xc8: {  	(v2sf) =	vpush v6, $0xF;
	_ =	sdelay $0xe  }
0xc9: {  	s31 =	spop (v2sf)  }
0xca: {  	p0 =	sgt.u32 s20, $0x1E;
	s21 =	sxor.u32 $0x80000000, s31  }
0xcb: {  	vm15 =	vgt.s32 v4, $0x0;
	v5 =	vadd.s32 v63, v5;
	p1 =	slt.s32 @!p0 s21, $0x20  }
0xcc: {  	v4 =	vadd.s32 $0xFFFFFFFF, v5;
	p0 =	por p0, !p1  }
.Ltmp2:
0xcd: {  	_ = 	snop;
	(pc) =	sbr.rel @!p0 .LBB2_8-.Ltmp2, $4  }
0xce: {  	_ = 	snop  }
0xcf: {  	s22 =	sadd.s32 $0x70, s19  }
0xd0: {  	v5 =	vor.u32 s22, v0  }
0xd1: {  	s20 =	sadd.s32 $0x1, s20;
	s19 =	sadd.s32 $0x80, s19;
	s18 =	sadd.s32 $0x80, s18;
	[tilespmem:v4+s9+$0x0] =	vst.idx.msk vm15, v5  }
0xd2: {  	v4 =	vld.msk [tilespmem:s9+$0x0], $0xffff  }
0xd3: {  	s18 =	sadd.s32 s15, s16;
	v5 =	vld [tilespmem:$0x10000]  }
0xd4: {  	s18 =	sshll.u32 s18, $0x5  }
0xd5: {  	v6 =	vor.u32 s18, v0  }
0xd6: {  	v7 =	vmov s21  }
0xd7: {  	vm0 =	vgt.s32 v7, v0  }
0xd8: {  	v5 =	vsel vm0, v5, v4  }
0xd9: {  	v5 =	vadd.s32 v1, v5  }
0xda: {  	[tilespmem:v6+s10+$0x0] =	vst.idx.msk $0xffff, v5  }
0xdb: {  	v5 =	vld [tilespmem:$0x10010]  }
0xdc: {  	s16 =	sadd.s32 $0x1, s16  }
0xdd: {  	p0 =	sne.s32 s16, $0x8;
	v63 =	vor.u32 s18, v3  }
.Ltmp3:
0xde: {  	_ = 	snop;
	(pc) =	sbr.rel @p0 .LBB2_7-.Ltmp3, $4  }
0xdf: {  	vm15 =	vgt.s32 v7, v3  }
0xe0: {  	v4 =	vsel vm15, v5, v4  }
0xe1: {  	v4 =	vadd.s32 v1, v4  }
0xe2: {  	s17 =	sadd.s32 $0x1000, s17;
	[tilespmem:v63+s10+$0x0] =	vst.idx.msk $0xffff, v4  }
0xe3: {  	s14 =	sadd.s32 $0x1, s14  }
0xe4: {  	p0 =	sne.s32 s14, $0x8  }
.Ltmp4:
0xe5: {  	_ = 	snop;
	(pc) =	sbr.rel @p0 .LBB2_2-.Ltmp4, $1  }
0xe6: {  	_ =	sdelay $0x3  }
0xe7: {  	s13 =	sadd.s32 $0x1, s13  }
0xe8: {  	p0 =	sne.s32 s13, s6  }
.Ltmp5:
0xe9: {  	_ = 	snop;
	(pc) =	sbr.rel @p0 .LBB2_1-.Ltmp5, $4  }
0xea: {  	[hbm4b:s5+s2] =	stream.linear.scatter [tilespmem:s10], [sflag:$0x3], $0x1000, $0x38;
	[tilespmem:$0x11100] =	vst v63  }
0xeb: {  	_ =	swait.ge [sflag:s12], $0x1000  }
0xec: {  	[sflag:s12] =	ssyncset.done $0x0  }
0xed: {  	[sflag:s12] =	ssyncadd.s32 $0xFFFFF000  }
0xee: {  	_ =	sfence.sel $0x180000  }
0xef: {  	[bflag:$0x0] =	sbarrier.arrive $0xFFFF  }
0xf0: {  	p0 =	sne.s32 s1, $0x0;
	_ =	strace $0x9000004A  }
0xf1: {  	s0 =	sadd.s32 @!p0 $0x100000, s0;
	[bflag:$0x2] =	sbarrier.arrive $0xFFFF  }
0xf2: {  	[sflag:s0] =	ssyncadd.tile.s32 @!p0 $0x1;
	_ =	shalt  }
.Lfunc_end2:
_tile_overlayer_lowered:
.L_overlay_start_2:
0xf3: {  	(tag) =	ssettag $0x2  }
0xf4: {  	s0 =	rddreg [dreg:$0x0];
	s2 =	stileid.u32  }
0xf5: {  	s1 =	rddreg [dreg:$0x1];
	p0 =	sne.s32 s2, $0x0  }
0xf6: {  	s3 =	rddreg [dreg:$0x2];
	[bflag:$0x3] =	sbarrier.arrive $0xFFFF;
	s2 =	simm.s32 @!p0 $0x1C03  }
0xf7: {  	[timem:s3], [sflag:s2] =	dma.local @!p0 [hbm:s0], s1  }
0xf8: {  	s0 =	simm.s32 @!p0 $0x3  }
0xf9: {  	_ =	swait.ge @!p0 [sflag:s0], s1  }
0xfa: {  	s1 =	ssub.s32 @!p0 $0x0, s1;
	[sflag:s0] =	ssyncset.done @!p0 $0x0  }
0xfb: {  	[sflag:s0] =	ssyncadd.s32 @!p0 s1  }
0xfc: {  	[bflag:$0x3] =	sbarrier.arrive $0xFFFF  }
0xfd: {  	_ =	shalt  }

// kernel: kernel.15.cloned.1.call-start
scs
__scs_entry_jumppad:
0x0: {  	(pc) =	sbr.rel $0x88, $3  }
0x1: {  	(tag) =	ssettag $0x0;
	lr =	simm.s32 $0x1  }
0x2: {  	[smem:$0x3F96] =	sst lr;
	_ =	strace $0xD0000000  }
0x3: {  	_ = 	snop  }
0x4: {  	_ = 	snop  }
0x5: {  	_ = 	snop  }
0x6: {  	_ = 	snop  }
0x7: {  	_ = 	snop  }
__scs_overlays_trampoline_lowered:
0x8: {  	[smem:$0x3FA5] =	sst s0  }
0x9: {  	[smem:$0x3FA6] =	sst s1  }
0xa: {  	[smem:$0x3FA7] =	sst s2  }
0xb: {  	[smem:$0x3FA8] =	sst s3  }
0xc: {  	[smem:$0x3FA9] =	sst s4  }
0xd: {  	[smem:$0x3FAA] =	sst s5  }
0xe: {  	[smem:$0x3FAB] =	sst s6  }
0xf: {  	[smem:$0x3FAC] =	sst s7  }
0x10: {  	[smem:$0x3FAD] =	sst s8  }
0x11: {  	[smem:$0x3FAE] =	sst s9;
	s0 =	simm.s32 @!p0 $0x0  }
0x12: {  	s1 =	sld [smem:$0x3F94];
	s0 =	simm.s32 @p0 $0x1  }
0x13: {  	[smem:$0x3FAF] =	sst s0;
	s0 =	simm.s32 @!p1 $0x0  }
0x14: {  	s2 =	sld [smem:$0x3F93];
	s0 =	simm.s32 @p1 $0x1  }
0x15: {  	[smem:$0x3FB0] =	sst s0;
	s0 =	simm.s32 @!p2 $0x0  }
0x16: {  	s3 =	sld [smem:$0x3FDB];
	s0 =	simm.s32 @p2 $0x1  }
0x17: {  	s4 =	simm.s32 $0x1BF5;
	[smem:$0x3FB2] =	sst s0  }
0x18: {  	s0 =	sld [smem:$0x3F95];
	_ =	swait.ge [sflag:s4], $0x0  }
0x19: {  	s7 =	sld [smem:$0x3F96]  }
0x1a: {  	s8 =	sadd.s32 $0xFFFFE003, lr  }
0x1b: {  	s9 =	sadd.s32 $0xFFFFFEF7, lr;
	s5 =	simm.s32 $0xFFFFFFFF;
	p2 =	slt.u32 s8, $0xFFFFF086  }
0x1c: {  	p1 =	slt.u32 s9, $0xF7A;
	s5 =	simm.s32 @!p2 $0x0  }
0x1d: {  	s5 =	simm.s32 @p1 $0x1;
	p0 =	seq.s32 s7, s2  }
0x1e: {  	s7 =	smul.u32 @!p0 $0xF7A, s2;
	p2 =	seq.s32 @!p0 s5, $0x0  }
0x1f: {  	s9 =	smul.u32 $0xF7A, s1;
	s8 =	simm.s32 @!p0 $0x1BF5;
	p2 =	por !p2, p0  }
0x20: {  	[sflag:s8] =	ssyncset.s32 @!p0 $0xFFFFF086;
	s6 =	sadd.s32 @!p0 s3, s7;
	s7 =	simm.s32 @!p0 $0x108  }
0x21: {  	s3 =	sadd.s32 s3, s9;
	s6 =	sadd.s32 @!p0 $0x88, s6;
	s7 =	simm.s32 @p2 $0x1082  }
0x22: {  	[simem:s7], [sflag:s8] =	dma.local @!p0 [hbm:s6], $0xF7A  }
0x23: {  	s9 =	sor.u32 $0xD0000000, s2;
	s6 =	simm.s32 $0x108;
	_ =	swait.ge @!p0 [sflag:s8], $0x0  }
0x24: {  	s3 =	sadd.s32 $0x88, s3;
	s6 =	simm.s32 @!p1 $0x1082;
	[sflag:s4] =	ssyncset.s32 $0xFFFFF086  }
0x25: {  	[simem:s6], [sflag:s4] =	dma.local [hbm:s3], $0xF7A  }
0x26: {  	[smem:$0x3F96] =	sst s1;
	(tag) =	ssettag s2;
	_ =	strace s9  }
0x27: {  	s1 =	sld [smem:$0x3FA6]  }
0x28: {  	s2 =	sld [smem:$0x3FA7]  }
0x29: {  	s4 =	sld [smem:$0x3FA9]  }
0x2a: {  	p0 =	seq.s32 s5, $0x0;
	s5 =	sld [smem:$0x3FAA]  }
0x2b: {  	s6 =	sld [smem:$0x3FAB]  }
0x2c: {  	s7 =	sld [smem:$0x3FAC]  }
0x2d: {  	s3 =	simm.s32 $0x108;
	s8 =	sld [smem:$0x3FAD]  }
0x2e: {  	s3 =	simm.s32 @!p0 $0x1082;
	s9 =	sld [smem:$0x3FAE]  }
0x2f: {  	lr =	sadd.s32 s0, s3;
	s0 =	sld [smem:$0x3FA5]  }
0x30: {  	s3 =	sld [smem:$0x3FA8]  }
0x31: {  	[smem:$0x3FB1] =	sst s10  }
0x32: {  	s10 =	sld [smem:$0x3FAF];
	_ =	sdelay $0x3  }
0x33: {  	p0 =	seq.s32 s10, $0x1;
	s10 =	sld [smem:$0x3FB1];
	_ =	sdelay $0x3  }
0x34: {  	[smem:$0x3FB1] =	sst s10  }
0x35: {  	s10 =	sld [smem:$0x3FB0];
	_ =	sdelay $0x3  }
0x36: {  	p1 =	seq.s32 s10, $0x1;
	s10 =	sld [smem:$0x3FB1];
	_ =	sdelay $0x3  }
0x37: {  	[smem:$0x3FB1] =	sst s10  }
0x38: {  	s10 =	sld [smem:$0x3FB2]  }
0x39: {  	_ = 	snop;
	(pc) =	sbr.ind lr, $3  }
0x3a: {  	_ = 	snop  }
0x3b: {  	_ = 	snop  }
0x3c: {  	p2 =	seq.s32 s10, $0x1;
	s10 =	sld [smem:$0x3FB1]  }
0x3d: {  	_ =	shalt  }
0x3e: {  	_ =	shalt  }
0x3f: {  	_ =	shalt  }
0x40: {  	_ =	shalt  }
0x41: {  	_ =	shalt  }
0x42: {  	_ =	shalt  }
0x43: {  	_ =	shalt  }
0x44: {  	_ =	shalt  }
0x45: {  	_ =	shalt  }
0x46: {  	_ =	shalt  }
0x47: {  	_ =	shalt  }
0x48: {  	_ =	shalt  }
0x49: {  	_ =	shalt  }
0x4a: {  	_ =	shalt  }
0x4b: {  	_ =	shalt  }
0x4c: {  	_ =	shalt  }
0x4d: {  	_ =	shalt  }
0x4e: {  	_ =	shalt  }
0x4f: {  	_ =	shalt  }
0x50: {  	_ =	shalt  }
0x51: {  	_ =	shalt  }
0x52: {  	_ =	shalt  }
0x53: {  	_ =	shalt  }
0x54: {  	_ =	shalt  }
0x55: {  	_ =	shalt  }
0x56: {  	_ =	shalt  }
0x57: {  	_ =	shalt  }
0x58: {  	_ =	shalt  }
0x59: {  	_ =	shalt  }
0x5a: {  	_ =	shalt  }
0x5b: {  	_ =	shalt  }
0x5c: {  	_ =	shalt  }
0x5d: {  	_ =	shalt  }
0x5e: {  	_ =	shalt  }
0x5f: {  	_ =	shalt  }
0x60: {  	_ =	shalt  }
0x61: {  	_ =	shalt  }
0x62: {  	_ =	shalt  }
0x63: {  	_ =	shalt  }
0x64: {  	_ =	shalt  }
0x65: {  	_ =	shalt  }
0x66: {  	_ =	shalt  }
0x67: {  	_ =	shalt  }
0x68: {  	_ =	shalt  }
0x69: {  	_ =	shalt  }
0x6a: {  	_ =	shalt  }
0x6b: {  	_ =	shalt  }
0x6c: {  	_ =	shalt  }
0x6d: {  	_ =	shalt  }
0x6e: {  	_ =	shalt  }
0x6f: {  	_ =	shalt  }
0x70: {  	_ =	shalt  }
0x71: {  	_ =	shalt  }
0x72: {  	_ =	shalt  }
0x73: {  	_ =	shalt  }
0x74: {  	_ =	shalt  }
0x75: {  	_ =	shalt  }
0x76: {  	_ =	shalt  }
0x77: {  	_ =	shalt  }
0x78: {  	_ =	shalt  }
0x79: {  	_ =	shalt  }
0x7a: {  	_ =	shalt  }
0x7b: {  	_ =	shalt  }
0x7c: {  	_ =	shalt  }
0x7d: {  	_ =	shalt  }
0x7e: {  	_ =	shalt  }
0x7f: {  	_ =	shalt  }
0x80: {  	_ =	shalt  }
0x81: {  	_ =	shalt  }
0x82: {  	_ =	shalt  }
0x83: {  	_ =	shalt  }
0x84: {  	_ =	shalt  }
0x85: {  	_ =	shalt  }
0x86: {  	_ =	shalt  }
0x87: {  	_ =	shalt  }
.Lfunc_end0:
.L_simem_size_0:
called_computation.2_lowered:
.L_overlay_start_0:
0x88: {  	s2 =	sld [smem:$0x3FD9]  }
0x89: {  	s3 =	sld [smem:$0x3FFE];
	_ =	sdelay $0x1  }
0x8a: {  	s1 =	srdreg.scid  }
0x8b: {  	s0 =	sand.u32 $0x1, s1  }
0x8c: {  	s16 =	sshll.u32 s0, $0xA;
	s2 =	sadd.s32 s3, s2  }
0x8d: {  	s2 =	sadd.s32 s2, s16  }
0x8e: {  	[smem:$0x3FBD] =	sst s2  }
0x8f: {  	_ = 	snop  }
0x90: {  	(tm) =	ssettm $0x1  }
0x91: {  	s17 =	sld [smem:$0x3FFB];
	_ =	sdelay $0x3  }
0x92: {  	_ =	strace s17  }
0x93: {  	s2 =	sld [smem:$0x3FFC];
	_ =	sdelay $0x3  }
0x94: {  	_ =	strace s2  }
0x95: {  	s2 =	sld [smem:$0x3FFD];
	_ =	sdelay $0x3  }
0x96: {  	_ =	strace s2  }
0x97: {  	_ =	strace $0x8FFFFFFF  }
0x98: {  	s18 =	sld [smem:$0x3FDB];
	_ =	sdelay $0x1  }
0x99: {  	s19 =	simm.s32 $_scs_section_size  }
0x9a: {  	s4 =	simm.s32 $_size__tile_overlayer_lowered;
	s5 =	simm.s32 $_tile_overlayer_lowered  }
0x9b: {  	s22 =	simm.s32 $0x1BFF;
	s21 =	sshll.u32 s5, $0x1;
	s2 =	sadd.s32 s19, s18  }
0x9c: {  	s6 =	simm.s32 $0x0;
	s20 =	sshll.u32 s4, $0x1;
	s4 =	sadd.s32 s21, s2  }
0x9d: {  	[timem:s6], [sflag:s22] =	dma.local [hbm:s4], s20  }
0x9e: {  	_ =	swait.ge [sflag:s22], s20  }
0x9f: {  	s3 =	ssub.s32 $0x0, s20;
	[sflag:s22] =	ssyncset.done $0x0  }
0xa0: {  	[sflag:s22] =	ssyncadd.s32 s3;
	_ =	sdelay $0x1  }
0xa1: {  	s23 =	simm.s32 $0x1B8B  }
0xa2: {  	_ =	swait.ge [sflag:s23], $0x1  }
0xa3: {  	[sflag:s23] =	ssyncset.done $0x0  }
0xa4: {  	s25 =	simm.s32 $0x1B8E;
	s24 =	sld [smem:$0x3FFE];
	[sflag:s23] =	ssyncadd.s32 $0xFFFFFFFF  }
0xa5: {  	s26 =	simm.s32 $execute0_lowered;
	[smem:$0x3FD2] =	sst s25  }
0xa6: {  	s4 =	sshll.u32 s26, $0x1;
	_ =	strace $0x8000004C;
	[dreg:$0x1] =	wrdreg $0xFFFFFFFF  }
0xa7: {  	s28 =	simm.s32 $_size_execute0_lowered;
	s2 =	sadd.s32 s2, s4;
	[dreg:$0x0] =	wrdreg $0x0  }
0xa8: {  	s4 =	sshll.u32 s28, $0x1;
	[dreg:$0x2] =	wrdreg s2  }
0xa9: {  	[dreg:$0x3] =	wrdreg s4  }
0xaa: {  	[dreg:$0x4] =	wrdreg $0xC0  }
0xab: {  	_ =	task [dreg:s6], $0x5FFFF  }
0xac: {  	[dreg:$0x1] =	wrdreg $0xFFFFFFFF  }
0xad: {  	[dreg:$0x0] =	wrdreg $0x60  }
0xae: {  	[dreg:$0x2] =	wrdreg s24  }
0xaf: {  	[dreg:$0x3] =	wrdreg $0x9  }
0xb0: {  	_ =	task.clear_ibuf [dreg:s6], $0x4FFFF;
	_ =	strace $0x9000004C  }
0xb1: {  	s29 =	simm.s32 $0x9;
	_ =	strace $0x8000004E  }
0xb2: {  	_ =	swait.ge [sflag:s29], $0x1  }
0xb3: {  	[sflag:s29] =	ssyncadd.s32 $0xFFFFFFFF  }
0xb4: {  	_ =	strace $0x9000004E  }
0xb5: {  	_ =	sfence  }
0xb6: {  	s30 =	sld [smem:$0x0];
	_ =	sdelay $0x2  }
0xb7: {  	s31 =	sshll.u32 s1, $0xD;
	s1 =	sshrl.u32 s1, $0x2  }
0xb8: {  	s3 =	sand.u32 $0x4000, s31;
	s1 =	sadd.s32 s1, s30  }
0xb9: {  	s0 =	sor.u32 s3, s0;
	s1 =	sshll.u32 s1, $0x11  }
0xba: {  	s0 =	sor.u32 s1, s0  }
0xbb: {  	s0 =	sadd.s32 $0x8F2B, s0  }
0xbc: {  	[sflag:s0] =	ssyncadd.remote.s32 $0x1  }
0xbd: {  	_ =	sfence.sel $0xFFFF  }
0xbe: {  	[dreg:$0x0] =	wrdreg $0xFFFFFFFF;
	(pc) =	sbr.abs _section_cstart, $3  }
0xbf: {  	[dreg:$0x1] =	wrdreg $0xFFFFFFFF  }
0xc0: {  	_ =	task.clear_ibuf [dreg:s6], $0x2FFFF;
	_ =	strace $0x9FFFFFFF  }
0xc1: {  	(tm) =	ssettm $0x7FFFFFFF  }
tec
execute0_lowered:
.L_overlay_start_1:
0x0: {  	(tag) =	ssettag $0x1  }
0x1: {  	s4 =	rddreg [dreg:$0x0];
	s2 =	srdreg.scid  }
0x2: {  	s0 =	rddreg [dreg:$0x1];
	s1 =	stileid.u32  }
0x3: {  	s9 =	simm.s32 $0x1000;
	s10 =	simm.s32 $0x3000;
	s11 =	simm.s32 $0x1  }
0x4: {  	s12 =	simm.s32 $0x2;
	s13 =	simm.s32 $0x0;
	s5 =	sand.u32 $0x1, s2  }
0x5: {  	s2 =	simm.s32 $0x0;
	s3 =	sshll.u32 s1, $0xD;
	s7 =	sshll.u32 s1, $0x10  }
0x6: {  	s6 =	sshll.u32 s5, $0xC;
	[smem:$0x7FF] =	sst s2;
	s8 =	ssub.s32 $0x2, s5  }
0x7: {  	s7 =	sadd.s32 s7, s4;
	s5 =	sshll.u32 s5, $0xF;
	s6 =	sor.u32 s6, s3  }
0x8: {  	_ =	strace $0x8000004D;
	s3 =	sadd.s32 $0x88000, s4;
	s30 =	sshrl.u32 s8, $0x1  }
0x9: {  	s31 =	sadd.s32 s5, s7;
	s6 =	sshrl.u32 s6, $0x3;
	s8 =	ssub.s32 s8, s30  }
0xa: {  	s7 =	simm.s32 $0x3;
	s6 =	sadd.s32 s6, s4;
	s5 =	smax.u32 s8, $0x1  }
0xb: {  	s8 =	simm.s32 $0x80;
	s4 =	sadd.s32 $0x4000, s6;
	s6 =	sadd.s32 $0xC8000, s31  }
.LBB2_1:
0xc: {  	[tilespmem:s2], [sflag:$0x3] =	stream.linear.gather [hbm4b:s4+s2], $0x1000, $0x38;
	[tilespmem:$0x5000] =	vst v63  }
0xd: {  	_ =	swait.ge [sflag:s7], $0x1000  }
0xe: {  	[sflag:s7] =	ssyncset.done $0x0  }
0xf: {  	s14 =	simm.s32 $0x0;
	[sflag:s7] =	ssyncadd.s32 $0xFFFFF000  }
0x10: {  	[tilespmem:s9], [sflag:$0x1] =	stream.indirect.gather [hbm4b:s3+s8], $0x40, s14, s8, $0xb8;
	[tilespmem:$0x5000] =	vst v63  }
0x11: {  	s30 =	simm.s32 $0x80  }
0x12: {  	[tilespmem:s10], [sflag:$0x2] =	stream.indirect.gather [hbm4b:s3+s8], $0x40, s30, s8, $0xb8;
	[tilespmem:$0x5000] =	vst v63  }
0x13: {  	_ =	swait.ge [sflag:s11], $0x2000  }
0x14: {  	[sflag:s11] =	ssyncset.done $0x0  }
0x15: {  	[sflag:s11] =	ssyncadd.s32 $0xFFFFE000  }
0x16: {  	[hbm4b:s6+s2] =	stream.linear.scatter [tilespmem:s9], [sflag:$0x3], $0x2000, $0x38;
	[tilespmem:$0x5000] =	vst v63  }
0x17: {  	_ =	swait.ge [sflag:s7], $0x2000  }
0x18: {  	[sflag:s7] =	ssyncset.done $0x0  }
0x19: {  	[sflag:s7] =	ssyncadd.s32 $0xFFFFE000  }
0x1a: {  	_ =	swait.ge [sflag:s12], $0x2000  }
0x1b: {  	[sflag:s12] =	ssyncset.done $0x0  }
0x1c: {  	s31 =	sadd.s32 $0x400, s6;
	[sflag:s12] =	ssyncadd.s32 $0xFFFFE000  }
0x1d: {  	[hbm4b:s31+s2] =	stream.linear.scatter [tilespmem:s10], [sflag:$0x3], $0x2000, $0x38;
	[tilespmem:$0x5000] =	vst v63  }
0x1e: {  	s15 =	simm.s32 $0x400;
	_ =	swait.ge [sflag:s7], $0x2000  }
0x1f: {  	s16 =	simm.s32 $0x800;
	s14 =	sadd.s32 $0x800, s6;
	[sflag:s7] =	ssyncset.done $0x0  }
.LBB2_2:
0x20: {  	s17 =	sshra.s32 s15, $0x2  }
0x21: {  	[sflag:s7] =	ssyncadd.s32 $0xFFFFE000;
	s15 =	smov.u32 s16;
	s18 =	sadd.s32 $0x400, s16  }
0x22: {  	[tilespmem:s9], [sflag:$0x1] =	stream.indirect.gather [hbm4b:s3+s8], $0x40, s17, s8, $0xb8;
	[tilespmem:$0x5000] =	vst v63  }
0x23: {  	p0 =	sne.s32 s16, $0x3C00;
	s16 =	sadd.s32 $0x80, s17  }
0x24: {  	[tilespmem:s10], [sflag:$0x2] =	stream.indirect.gather [hbm4b:s3+s8], $0x40, s16, s8, $0xb8;
	[tilespmem:$0x5000] =	vst v63  }
0x25: {  	_ =	swait.ge [sflag:s11], $0x2000  }
0x26: {  	[sflag:s11] =	ssyncset.done $0x0  }
0x27: {  	[sflag:s11] =	ssyncadd.s32 $0xFFFFE000  }
0x28: {  	[hbm4b:s14+s2] =	stream.linear.scatter [tilespmem:s9], [sflag:$0x3], $0x2000, $0x38;
	[tilespmem:$0x5000] =	vst v63  }
0x29: {  	_ =	swait.ge [sflag:s7], $0x2000  }
0x2a: {  	[sflag:s7] =	ssyncset.done $0x0  }
0x2b: {  	[sflag:s7] =	ssyncadd.s32 $0xFFFFE000  }
0x2c: {  	_ =	swait.ge [sflag:s12], $0x2000  }
.Ltmp0:
0x2d: {  	[sflag:s12] =	ssyncset.done $0x0;
	(pc) =	sbr.rel @p0 .LBB2_2-.Ltmp0, $4  }
0x2e: {  	s16 =	sadd.s32 $0x400, s14;
	[sflag:s12] =	ssyncadd.s32 $0xFFFFE000  }
0x2f: {  	[hbm4b:s16+s2] =	stream.linear.scatter [tilespmem:s10], [sflag:$0x3], $0x2000, $0x38;
	[tilespmem:$0x5000] =	vst v63  }
0x30: {  	_ =	swait.ge [sflag:s7], $0x2000  }
0x31: {  	s14 =	sadd.s32 $0x800, s14;
	s16 =	smov.u32 s18;
	[sflag:s7] =	ssyncset.done $0x0  }
0x32: {  	s15 =	sshra.s32 s15, $0x2;
	[sflag:s7] =	ssyncadd.s32 $0xFFFFE000  }
0x33: {  	[tilespmem:s9], [sflag:$0x1] =	stream.indirect.gather [hbm4b:s3+s8], $0x40, s15, s8, $0xb8;
	[tilespmem:$0x5000] =	vst v63  }
0x34: {  	s15 =	sadd.s32 $0x80, s15  }
0x35: {  	[tilespmem:s10], [sflag:$0x2] =	stream.indirect.gather [hbm4b:s3+s8], $0x40, s15, s8, $0xb8;
	[tilespmem:$0x5000] =	vst v63  }
0x36: {  	_ =	swait.ge [sflag:s11], $0x2000  }
0x37: {  	[sflag:s11] =	ssyncset.done $0x0  }
0x38: {  	[sflag:s11] =	ssyncadd.s32 $0xFFFFE000  }
0x39: {  	[hbm4b:s14+s2] =	stream.linear.scatter [tilespmem:s9], [sflag:$0x3], $0x2000, $0x38;
	[tilespmem:$0x5000] =	vst v63  }
0x3a: {  	_ =	swait.ge [sflag:s7], $0x2000  }
0x3b: {  	[sflag:s7] =	ssyncset.done $0x0  }
0x3c: {  	[sflag:s7] =	ssyncadd.s32 $0xFFFFE000  }
0x3d: {  	s13 =	sadd.s32 $0x1, s13;
	_ =	swait.ge [sflag:s12], $0x2000  }
0x3e: {  	p0 =	sne.s32 s13, s5;
	[sflag:s12] =	ssyncset.done $0x0  }
.Ltmp1:
0x3f: {  	s31 =	sadd.s32 $0x400, s14;
	[sflag:s12] =	ssyncadd.s32 $0xFFFFE000;
	(pc) =	sbr.rel @p0 .LBB2_1-.Ltmp1, $4  }
0x40: {  	[hbm4b:s31+s2] =	stream.linear.scatter [tilespmem:s10], [sflag:$0x3], $0x2000, $0x38;
	[tilespmem:$0x5000] =	vst v63  }
0x41: {  	_ =	swait.ge [sflag:s7], $0x2000  }
0x42: {  	[sflag:s7] =	ssyncset.done $0x0  }
0x43: {  	[sflag:s7] =	ssyncadd.s32 $0xFFFFE000  }
0x44: {  	_ =	sfence.sel $0x180000  }
0x45: {  	[bflag:$0x0] =	sbarrier.arrive $0xFFFF  }
0x46: {  	p0 =	sne.s32 s1, $0x0;
	_ =	strace $0x9000004D  }
0x47: {  	s0 =	sadd.s32 @!p0 $0x100000, s0;
	[bflag:$0x2] =	sbarrier.arrive $0xFFFF  }
0x48: {  	[sflag:s0] =	ssyncadd.tile.s32 @!p0 $0x1;
	_ =	shalt  }
.Lfunc_end2:
_tile_overlayer_lowered:
.L_overlay_start_2:
0x49: {  	(tag) =	ssettag $0x2  }
0x4a: {  	s0 =	rddreg [dreg:$0x0];
	s2 =	stileid.u32  }
0x4b: {  	s1 =	rddreg [dreg:$0x1];
	p0 =	sne.s32 s2, $0x0  }
0x4c: {  	s3 =	rddreg [dreg:$0x2];
	[bflag:$0x3] =	sbarrier.arrive $0xFFFF;
	s2 =	simm.s32 @!p0 $0x1C03  }
0x4d: {  	[timem:s3], [sflag:s2] =	dma.local @!p0 [hbm:s0], s1  }
0x4e: {  	s0 =	simm.s32 @!p0 $0x3  }
0x4f: {  	_ =	swait.ge @!p0 [sflag:s0], s1  }
0x50: {  	s1 =	ssub.s32 @!p0 $0x0, s1;
	[sflag:s0] =	ssyncset.done @!p0 $0x0  }
0x51: {  	[sflag:s0] =	ssyncadd.s32 @!p0 s1  }
0x52: {  	[bflag:$0x3] =	sbarrier.arrive $0xFFFF  }
0x53: {  	_ =	shalt  }

// kernel: sparse-core-data-format-call.cloned.1.call-start
scs
called_computation_lowered:
.L_overlay_start_0:
0x0: {  	s1 =	sld [smem:$0x3FD9]  }
0x1: {  	s2 =	sld [smem:$0x3FFE];
	_ =	sdelay $0x1  }
0x2: {  	s3 =	srdreg.scid  }
0x3: {  	s0 =	sand.u32 $0x1, s3  }
0x4: {  	s17 =	sshll.u32 s0, $0xA;
	s1 =	sadd.s32 s2, s1  }
0x5: {  	s1 =	sadd.s32 s1, s17  }
0x6: {  	[smem:$0x3FBD] =	sst s1  }
0x7: {  	_ = 	snop  }
0x8: {  	(tm) =	ssettm $0x1  }
0x9: {  	s18 =	sld [smem:$0x3FFB];
	_ =	sdelay $0x3  }
0xa: {  	_ =	strace s18  }
0xb: {  	s1 =	sld [smem:$0x3FFC];
	_ =	sdelay $0x3  }
0xc: {  	_ =	strace s1  }
0xd: {  	s1 =	sld [smem:$0x3FFD];
	_ =	sdelay $0x3  }
0xe: {  	_ =	strace s1  }
0xf: {  	_ =	strace $0x8FFFFFFF  }
0x10: {  	s19 =	sld [smem:$0x3FDB];
	_ =	sdelay $0x1  }
0x11: {  	s20 =	simm.s32 $_scs_section_size  }
0x12: {  	s4 =	simm.s32 $_size__tile_overlayer_lowered;
	s5 =	simm.s32 $_tile_overlayer_lowered  }
0x13: {  	s23 =	simm.s32 $0x1BFF;
	s22 =	sshll.u32 s5, $0x1;
	s1 =	sadd.s32 s20, s19  }
0x14: {  	s6 =	simm.s32 $0x0;
	s21 =	sshll.u32 s4, $0x1;
	s4 =	sadd.s32 s22, s1  }
0x15: {  	[timem:s6], [sflag:s23] =	dma.local [hbm:s4], s21  }
0x16: {  	_ =	swait.ge [sflag:s23], s21  }
0x17: {  	s2 =	ssub.s32 $0x0, s21;
	[sflag:s23] =	ssyncset.done $0x0  }
0x18: {  	[sflag:s23] =	ssyncadd.s32 s2;
	_ =	sdelay $0x1  }
0x19: {  	s24 =	simm.s32 $0x1B8B  }
0x1a: {  	_ =	swait.ge [sflag:s24], $0x1  }
0x1b: {  	[sflag:s24] =	ssyncset.done $0x0  }
0x1c: {  	s26 =	simm.s32 $0x1B8E;
	s25 =	sld [smem:$0x3FFE];
	[sflag:s24] =	ssyncadd.s32 $0xFFFFFFFF  }
0x1d: {  	s27 =	simm.s32 $execute0_lowered;
	[smem:$0x3FD2] =	sst s26  }
0x1e: {  	s4 =	sshll.u32 s27, $0x1;
	_ =	strace $0x80000046;
	[dreg:$0x1] =	wrdreg $0xFFFFFFFF  }
0x1f: {  	s28 =	simm.s32 $_size_execute0_lowered;
	s1 =	sadd.s32 s1, s4;
	[dreg:$0x0] =	wrdreg $0x0  }
0x20: {  	s4 =	sshll.u32 s28, $0x1;
	[dreg:$0x2] =	wrdreg s1  }
0x21: {  	[dreg:$0x3] =	wrdreg s4  }
0x22: {  	[dreg:$0x4] =	wrdreg $0xC0  }
0x23: {  	_ =	task [dreg:s6], $0x5FFFF  }
0x24: {  	[dreg:$0x1] =	wrdreg $0xFFFFFFFF  }
0x25: {  	[dreg:$0x0] =	wrdreg $0x60  }
0x26: {  	[dreg:$0x2] =	wrdreg s25  }
0x27: {  	[dreg:$0x3] =	wrdreg $0x9  }
0x28: {  	_ =	task.clear_ibuf [dreg:s6], $0x4FFFF;
	_ =	strace $0x90000046  }
0x29: {  	s29 =	simm.s32 $0x9;
	_ =	strace $0x80000048  }
0x2a: {  	_ =	swait.ge [sflag:s29], $0x1  }
0x2b: {  	[sflag:s29] =	ssyncadd.s32 $0xFFFFFFFF  }
0x2c: {  	_ =	strace $0x90000048  }
0x2d: {  	_ =	sfence  }
0x2e: {  	s30 =	sld [smem:$0x0];
	_ =	sdelay $0x2  }
0x2f: {  	s31 =	sshll.u32 s3, $0xD;
	s3 =	sshrl.u32 s3, $0x2  }
0x30: {  	s2 =	sand.u32 $0x4000, s31;
	s1 =	sadd.s32 s3, s30  }
0x31: {  	s0 =	sor.u32 s2, s0;
	s1 =	sshll.u32 s1, $0x11  }
0x32: {  	s0 =	sor.u32 s1, s0  }
0x33: {  	s0 =	sadd.s32 $0x8F2B, s0  }
0x34: {  	[sflag:s0] =	ssyncadd.remote.s32 $0x1  }
0x35: {  	_ =	sfence.sel $0xFFFF  }
0x36: {  	[dreg:$0x0] =	wrdreg $0xFFFFFFFF;
	(pc) =	sbr.abs _section_cstart, $3  }
0x37: {  	[dreg:$0x1] =	wrdreg $0xFFFFFFFF  }
0x38: {  	_ =	task.clear_ibuf [dreg:s6], $0x2FFFF;
	_ =	strace $0x9FFFFFFF  }
0x39: {  	(tm) =	ssettm $0x7FFFFFFF  }
tec
execute0_lowered:
.L_overlay_start_1:
0x0: {  	(tag) =	ssettag $0x1  }
0x1: {  	s1 =	rddreg [dreg:$0x0]  }
0x2: {  	s0 =	rddreg [dreg:$0x1]  }
0x3: {  	_ =	strace $0x80000047;
	s4 =	srdreg.scid;
	s6 =	simm.s32 $0x2  }
0x4: {  	s11 =	simm.s32 $0x0;
	p0 =	por $0x0, $0x0;
	s7 =	simm.s32 $0x1000  }
.Ltmp0:
0x5: {  	s12 =	simm.s32 $0x0;
	s9 =	simm.s32 $0x0;
	(pc) =	sbr.rel .LBB1_1-.Ltmp0, $4  }
0x6: {  	s2 =	sadd.s32 $0x4000, s1;
	s3 =	sadd.s32 $0x204000, s1;
	s5 =	sshll.u32 s4, $0x4  }
0x7: {  	s1 =	stileid.u32;
	s4 =	simm.s32 $0x1;
	s5 =	sand.u32 $0x10, s5  }
0x8: {  	s8 =	simm.s32 $0x0;
	[sflag:s4] =	ssyncpa.u1 $0x0;
	s5 =	sor.u32 s1, s5  }
0x9: {  	[sflag:s6] =	ssyncpa.u1 $0x0;
	s6 =	simm.s32 $0x800;
	s10 =	smov.u32 s5  }
.LBB1_7:
0xa: {  	s13 =	sadd.s32 $0x10, s9  }
0xb: {  	s11 =	sadd.s32 $0x20, s10;
	s15 =	smov.u32 s10;
	p2 =	sgt.s32 s13, $0x1F  }
0xc: {  	p1 =	slt.u32 s8, $0x2;
	s15 =	smov.u32 @p2 s11  }
0xd: {  	s8 =	sadd.s32 $0x1, s8;
	s13 =	simm.s32 @p2 $0x0;
	p2 =	sgt.s32 s15, $0x1FF  }
0xe: {  	s15 =	smov.u32 @p2 s5;
	p2 =	sne.s32 s8, $0x22  }
.Ltmp1:
0xf: {  	_ = 	snop;
	(pc) =	sbr.rel @!p2 .LBB1_8-.Ltmp1, $4  }
0x10: {  	s14 =	simm.s32 @!p1 $0x2  }
0x11: {  	s12 =	smov.u32 s10;
	_ =	swait.ge @!p1 [sflag:s14], $0x4000  }
0x12: {  	p0 =	por !p0, !p0;
	s11 =	smov.u32 s9;
	[sflag:s14] =	ssyncset.done @!p1 $0x0  }
0x13: {  	s9 =	smov.u32 s13;
	[sflag:s14] =	ssyncadd.s32 @!p1 $0xFFFFC000;
	s10 =	smov.u32 s15  }
.LBB1_1:
0x14: {  	p1 =	sgt.u32 s8, $0x1F  }
0x15: {  	s13 =	sxor.u32 @!p1 $0xFFFFFFFF, s8;
	s14 =	sshll.u32 @!p1 s10, $0xC  }
0x16: {  	s15 =	sshll.u32 @!p1 s9, $0x7;
	s13 =	sshll.u32 @!p1 s13, $0xE;
	s14 =	sadd.s32 @!p1 s2, s14  }
0x17: {  	s13 =	sand.u32 @!p1 $0x4000, s13;
	s14 =	sadd.s32 @!p1 s15, s14;
	s15 =	simm.s32 @!p1 $0x0  }
0x18: {  	[tilespmem:s13], [sflag:$0x1] =	stream.linear.gather @!p1 [hbm4b:s14+s15], $0x4000, $0x38;
	[tilespmem:$0x10000] =	vst v63  }
0x19: {  	p1 =	seq.s32 s8, $0x0  }
0x1a: {  	p2 =	seq.s32 @!p1 s8, $0x21  }
0x1b: {  	p1 =	por p1, p2  }
.Ltmp2:
0x1c: {  	_ = 	snop;
	(pc) =	sbr.rel @p1 .LBB1_7-.Ltmp2, $1  }
0x1d: {  	_ =	sdelay $0x3  }
0x1e: {  	s13 =	simm.s32 $0x1;
	_ =	swait.ge [sflag:s4], $0x4000;
	s16 =	sshll.u32 s8, $0xE  }
0x1f: {  	s13 =	simm.s32 @!p0 $0x0;
	[sflag:s4] =	ssyncset.done $0x0;
	s31 =	sand.u32 $0x4000, s16  }
0x20: {  	s16 =	simm.s32 $0x0;
	s14 =	sshll.u32 s13, $0xE;
	[sflag:s4] =	ssyncadd.s32 $0xFFFFC000  }
0x21: {  	s13 =	sor.u32 $0x8040, s14;
	s15 =	sor.u32 $0x40, s14;
	s14 =	sor.u32 $0x8000, s31  }
.LBB1_3:
0x22: {  	v0 =	vmov s15;
	_ =	sdelay $0x3  }
0x23: {  	s18 =	simm.s32 $0x0  }
0x24: {  	v6 =	vld.idx.msk [tilespmem:v0+s18+$0x30 ss:$0x1], $0xffff  }
0x25: {  	v7 =	vld.idx.msk [tilespmem:v0+s18+$0xFFFFFFC0 ss:$0x1], $0xffff  }
0x26: {  	v5 =	vld.idx.msk [tilespmem:v0+s18+$0xFFFFFFD0 ss:$0x1], $0xffff  }
0x27: {  	v4 =	vld.idx.msk [tilespmem:v0+s18+$0xFFFFFFE0 ss:$0x1], $0xffff  }
0x28: {  	v3 =	vld.idx.msk [tilespmem:v0+s18+$0xFFFFFFF0 ss:$0x1], $0xffff  }
0x29: {  	v1 =	vld.idx.msk [tilespmem:v0+s18+$0x0 ss:$0x1], $0xffff  }
0x2a: {  	v2 =	vld.idx.msk [tilespmem:v0+s18+$0x10 ss:$0x1], $0xffff;
	[tilespmem:s13+$0x30] =	vst v6  }
0x2b: {  	s17 =	simm.s32 $0x80;
	s19 =	simm.s32 $0x400;
	[tilespmem:s13+$0xFFFFFFC0] =	vst v7;
	v6 =	vld.idx.msk [tilespmem:v0+s18+$0x20 ss:$0x1], $0xffff;
	s18 =	smov.u32 s13  }
.LBB1_4:
0x2c: {  	p1 =	sne.s32 s19, $0xE00;
	v7 =	vld.idx.msk [tilespmem:v0+s17+$0x30 ss:$0x1], $0xffff;
	[tilespmem:s18+$0xFFFFFFD0] =	vst v5  }
0x2d: {  	v8 =	vld.idx.msk [tilespmem:v0+s17+$0xFFFFFFC0 ss:$0x1], $0xffff;
	[tilespmem:s18+$0xFFFFFFE0] =	vst v4  }
0x2e: {  	v5 =	vld.idx.msk [tilespmem:v0+s17+$0xFFFFFFD0 ss:$0x1], $0xffff;
	[tilespmem:s18+$0xFFFFFFF0] =	vst v3  }
.Ltmp3:
0x2f: {  	v4 =	vld.idx.msk [tilespmem:v0+s17+$0xFFFFFFE0 ss:$0x1], $0xffff;
	[tilespmem:s18+$0x0] =	vst v1;
	(pc) =	sbr.rel @p1 .LBB1_4-.Ltmp3, $4  }
0x30: {  	v3 =	vld.idx.msk [tilespmem:v0+s17+$0xFFFFFFF0 ss:$0x1], $0xffff;
	[tilespmem:s18+$0x10] =	vst v2  }
0x31: {  	v1 =	vld.idx.msk [tilespmem:v0+s17+$0x0 ss:$0x1], $0xffff;
	[tilespmem:s18+$0x20] =	vst v6;
	s18 =	sadd.s32 $0x800, s18  }
0x32: {  	v2 =	vld.idx.msk [tilespmem:v0+s17+$0x10 ss:$0x1], $0xffff;
	[tilespmem:s18+$0x30] =	vst v7  }
0x33: {  	[tilespmem:s18+$0xFFFFFFC0] =	vst v8;
	v6 =	vld.idx.msk [tilespmem:v0+s17+$0x20 ss:$0x1], $0xffff;
	s17 =	sshra.s32 s19, $0x2;
	s19 =	sadd.s32 $0x200, s19  }
0x34: {  	_ =	sdelay $0x2  }
0x35: {  	[tilespmem:s18+$0xFFFFFFD0] =	vst v5  }
0x36: {  	v56 =	vld.idx.msk [tilespmem:v0+s17+$0x30 ss:$0x1], $0xffff;
	[tilespmem:s18+$0xFFFFFFE0] =	vst v4  }
0x37: {  	v57 =	vld.idx.msk [tilespmem:v0+s17+$0xFFFFFFC0 ss:$0x1], $0xffff;
	[tilespmem:s18+$0xFFFFFFF0] =	vst v3  }
0x38: {  	v58 =	vld.idx.msk [tilespmem:v0+s17+$0xFFFFFFD0 ss:$0x1], $0xffff;
	[tilespmem:s18+$0x0] =	vst v1  }
0x39: {  	v59 =	vld.idx.msk [tilespmem:v0+s17+$0xFFFFFFE0 ss:$0x1], $0xffff;
	[tilespmem:s18+$0x10] =	vst v2  }
0x3a: {  	v60 =	vld.idx.msk [tilespmem:v0+s17+$0xFFFFFFF0 ss:$0x1], $0xffff;
	s31 =	sadd.s32 $0x800, s18;
	[tilespmem:s18+$0x20] =	vst v6  }
0x3b: {  	v61 =	vld.idx.msk [tilespmem:v0+s17+$0x0 ss:$0x1], $0xffff;
	[tilespmem:s31+$0x30] =	vst v56  }
0x3c: {  	v62 =	vld.idx.msk [tilespmem:v0+s17+$0x10 ss:$0x1], $0xffff;
	s16 =	sadd.s32 $0x1, s16;
	[tilespmem:s31+$0xFFFFFFC0] =	vst v57  }
0x3d: {  	v63 =	vld.idx.msk [tilespmem:v0+s17+$0x20 ss:$0x1], $0xffff;
	p1 =	sne.s32 s16, $0x10;
	[tilespmem:s31+$0xFFFFFFD0] =	vst v58  }
.Ltmp4:
0x3e: {  	[tilespmem:s31+$0xFFFFFFE0] =	vst v59;
	(pc) =	sbr.rel @p1 .LBB1_3-.Ltmp4, $4  }
0x3f: {  	[tilespmem:s31+$0xFFFFFFF0] =	vst v60  }
0x40: {  	[tilespmem:s31+$0x0] =	vst v61  }
0x41: {  	[tilespmem:s31+$0x10] =	vst v62  }
0x42: {  	s13 =	sadd.s32 $0x80, s13;
	s15 =	sadd.s32 $0x400, s15;
	[tilespmem:s31+$0x20] =	vst v63  }
.Ltmp5:
0x43: {  	(pc) =	sbr.rel .LBB1_7-.Ltmp5, $4  }
0x44: {  	s12 =	sshll.u32 s12, $0xC;
	s11 =	sshll.u32 s11, $0x4  }
0x45: {  	s11 =	sand.u32 $0x1F0, s11;
	s12 =	sadd.s32 s3, s12  }
0x46: {  	s11 =	sadd.s32 s11, s12  }
0x47: {  	[hbm4b:s11+s6] =	stream.strided.scatter [tilespmem:s14], [sflag:$0x2], $0x4000, s7, s6, $0x38;
	[tilespmem:$0x10000] =	vst v63  }
.LBB1_8:
0x48: {  	_ =	sfence.sel $0x180000  }
0x49: {  	s2 =	simm.s32 $0x1;
	[bflag:$0x0] =	sbarrier.arrive $0xFFFF  }
0x4a: {  	s31 =	simm.s32 $0x2;
	[sflag:s2] =	ssyncpa.u1 $0x1  }
0x4b: {  	[sflag:s31] =	ssyncpa.u1 $0x1  }
0x4c: {  	p0 =	sne.s32 s1, $0x0;
	_ =	strace $0x90000047  }
0x4d: {  	s0 =	sadd.s32 @!p0 $0x100000, s0;
	[bflag:$0x2] =	sbarrier.arrive $0xFFFF  }
0x4e: {  	[sflag:s0] =	ssyncadd.tile.s32 @!p0 $0x1;
	_ =	shalt  }
.Lfunc_end1:
_tile_overlayer_lowered:
.L_overlay_start_2:
0x4f: {  	(tag) =	ssettag $0x2  }
0x50: {  	s0 =	rddreg [dreg:$0x0];
	s2 =	stileid.u32  }
0x51: {  	s1 =	rddreg [dreg:$0x1];
	p0 =	sne.s32 s2, $0x0  }
0x52: {  	s3 =	rddreg [dreg:$0x2];
	[bflag:$0x3] =	sbarrier.arrive $0xFFFF;
	s2 =	simm.s32 @!p0 $0x1C01  }
0x53: {  	[timem:s3], [sflag:s2] =	dma.local @!p0 [hbm:s0], s1  }
0x54: {  	s0 =	simm.s32 @!p0 $0x1  }
0x55: {  	_ =	swait.ge @!p0 [sflag:s0], s1  }
0x56: {  	s1 =	ssub.s32 @!p0 $0x0, s1;
	[sflag:s0] =	ssyncset.done @!p0 $0x0  }
0x57: {  	[sflag:s0] =	ssyncadd.s32 @!p0 s1  }
0x58: {  	[bflag:$0x3] =	sbarrier.arrive $0xFFFF  }
0x59: {  	_ =	shalt  }

</sc_bundles>
